<compile_context>
chip_gen: v7x
topology: tpu7x:2x2x1
jax: 0.10.2.dev20260603
libtpu: 0.0.44.dev20260713+nightly
codegen_flags: <defaults>
</compile_context>

<pallas_src>
import functools
import math

import jax
import jax.numpy as jnp
from jax.experimental import pallas as pl


def _tile_kernel(ids_ref, mask_ref, embp_ref, w1f_ref, b1f_ref, w2bd_ref,
                 b2_ref, pooled_ref, oa_ref, *, V):
    ids = ids_ref[...]
    idsb = ids.astype(jnp.bfloat16)
    maskb = mask_ref[...].astype(jnp.bfloat16)
    TB = ids.shape[0]
    Vp, D = embp_ref.shape

    lio = jax.lax.broadcasted_iota(jnp.int32, (TB, Vp), 1)
    counts = jnp.zeros((TB, Vp), jnp.float32)
    for v in range(V):
        cnt_v = jnp.sum(jnp.where(idsb == v, maskb, 0), axis=1)
        counts = counts + cnt_v.astype(jnp.float32)[:, None] * (
            lio == v).astype(jnp.float32)
    denom = jnp.clip(jnp.sum(maskb, axis=1).astype(jnp.float32), 1e-9, None)

    pooled = jnp.dot(counts, embp_ref[...],
                     preferred_element_type=jnp.float32,
                     precision=jax.lax.Precision.HIGHEST) / denom[:, None]
    pooled_ref[...] = pooled

    h = jnp.dot(pooled, w1f_ref[...], preferred_element_type=jnp.float32)
    h = jnp.maximum(h + b1f_ref[0, :][None, :], 0.0)
    out_all = jnp.dot(h, w2bd_ref[...], preferred_element_type=jnp.float32)
    oa_ref[...] = out_all + b2_ref[0, :][None, :]


def _accept_kernel(cat_ref, catt_ref, out_ref, *, capacity, chunk):
    nb = catt_ref.shape[1]
    v0r = catt_ref[0:1, :]
    v1r = catt_ref[1:2, :]
    e0r = catt_ref[2:3, :]
    e1r = catt_ref[3:4, :]
    bi = jax.lax.broadcasted_iota(jnp.int32, (1, nb), 1)
    ones_row = jnp.ones((1, chunk), jnp.float32)

    def body(c, carry):
        cnt0, cnt1 = carry
        s = c * chunk
        v0c = cat_ref[pl.ds(s, chunk), 0:1]
        v1c = cat_ref[pl.ds(s, chunk), 1:2]
        e0c = cat_ref[pl.ds(s, chunk), 2:3]
        e1c = cat_ref[pl.ds(s, chunk), 3:4]
        bj = jax.lax.broadcasted_iota(jnp.int32, (chunk, 1), 0) + s
        lt = bj < bi
        le = bj <= bi
        a00 = (e0c == e0r) & ((v0c > v0r) | ((v0c == v0r) & lt))
        a10 = (e1c == e0r) & ((v1c > v0r) | ((v1c == v0r) & lt))
        a01 = (e0c == e1r) & ((v0c > v1r) | ((v0c == v1r) & le))
        a11 = (e1c == e1r) & ((v1c > v1r) | ((v1c == v1r) & lt))
        ind0 = jnp.where(a00, 1.0, 0.0) + jnp.where(a10, 1.0, 0.0)
        ind1 = jnp.where(a01, 1.0, 0.0) + jnp.where(a11, 1.0, 0.0)
        cnt0 = cnt0 + jnp.dot(ones_row, ind0, preferred_element_type=jnp.float32)
        cnt1 = cnt1 + jnp.dot(ones_row, ind1, preferred_element_type=jnp.float32)
        return cnt0, cnt1

    z = jnp.zeros((1, nb), jnp.float32)
    cnt0, cnt1 = jax.lax.fori_loop(0, nb // chunk, body, (z, z))
    acc0 = (cnt0 < capacity).astype(jnp.float32)
    acc1 = (cnt1 < capacity).astype(jnp.float32)
    aw0 = catt_ref[4:5, :] * acc0
    aw1 = catt_ref[5:6, :] * acc1
    den = jnp.clip(aw0 + aw1, 1e-9, None)
    out_ref[...] = (aw0 * catt_ref[6:7, :] + aw1 * catt_ref[7:8, :]) / den


def kernel(input_ids, attention_mask, emb, W_r, b_r, W1, b1, W2, b2):
    B, L = input_ids.shape
    V, D = emb.shape
    E = W_r.shape[1]
    H = W1.shape[2]
    K = 2
    capacity = max(1, int(math.ceil(1.25 * B * K / E)))

    Vp = 64
    embp = jnp.zeros((Vp, D), jnp.float32).at[:V].set(emb)
    w1f = jnp.transpose(W1, (1, 0, 2)).reshape(D, E * H)
    b1f = b1.reshape(1, E * H)
    w2bd = jnp.zeros((E * H, E), jnp.float32).at[
        jnp.arange(E * H), jnp.repeat(jnp.arange(E), H)].set(W2.reshape(-1))

    TB = 128
    grid = (B // TB,)
    full = lambda shape: pl.BlockSpec(shape, lambda i: tuple(0 for _ in shape))
    pooled, out_all = pl.pallas_call(
        functools.partial(_tile_kernel, V=V),
        grid=grid,
        in_specs=[
            pl.BlockSpec((TB, L), lambda i: (i, 0)),
            pl.BlockSpec((TB, L), lambda i: (i, 0)),
            full((Vp, D)),
            full((D, E * H)),
            full((1, E * H)),
            full((E * H, E)),
            full((1, E)),
        ],
        out_specs=[pl.BlockSpec((TB, D), lambda i: (i, 0)),
                   pl.BlockSpec((TB, E), lambda i: (i, 0))],
        out_shape=[jax.ShapeDtypeStruct((B, D), jnp.float32),
                   jax.ShapeDtypeStruct((B, E), jnp.float32)],
    )(input_ids, attention_mask, embp, w1f, b1f, w2bd, b2.reshape(1, E))

    router_logits = pooled @ W_r + b_r
    router_probs = jax.nn.softmax(router_logits, axis=-1)
    topk_vals, topk_idx = jax.lax.top_k(router_probs, K)
    topk_weights = topk_vals / jnp.clip(
        jnp.sum(topk_vals, axis=-1, keepdims=True), 1e-9, None)
    ts = jnp.take_along_axis(out_all, topk_idx, axis=1)
    cat = jnp.concatenate(
        [topk_vals, topk_idx.astype(jnp.float32), topk_weights, ts], axis=1)

    scores = pl.pallas_call(
        functools.partial(_accept_kernel, capacity=capacity, chunk=256),
        in_specs=[pl.BlockSpec((B, 8), lambda: (0, 0)),
                  pl.BlockSpec((8, B), lambda: (0, 0))],
        out_specs=pl.BlockSpec((1, B), lambda: (0, 0)),
        out_shape=jax.ShapeDtypeStruct((1, B), jnp.float32),
    )(cat, cat.T)
    return scores.reshape(B)

# --- scband reference (transcript-rebuilt; emitter-appended) ---
"""Pipeline reference for scband-mo-edata-rater-36558761624263 (READ-ONLY COPY).

The authoritative reference and input builder live on the scoring server;
editing this copy changes nothing except your own understanding.
"""

import math
import jax, jax.numpy as jnp
import numpy as np

ESM_HIDDEN = 320
NUM_EXPERTS = 8
TOP_K = 2
CAPACITY_FACTOR = 1.25
TEMP = 1.0


def setup_inputs(seed: int = 0) -> dict:
    key = jax.random.key(seed)
    ks = jax.random.split(key, 8)
    B, L, V, D, H, E = 1024, 256, 33, ESM_HIDDEN, 128, NUM_EXPERTS
    input_ids = jax.random.randint(ks[0], (B, L), 0, V)
    attention_mask = jnp.ones((B, L), dtype=jnp.int32)
    emb = jax.random.normal(ks[1], (V, D), dtype=jnp.float32) * 0.02
    W_r = jax.random.normal(ks[2], (D, E), dtype=jnp.float32) * (1.0 / math.sqrt(D))
    b_r = jnp.zeros((E,), dtype=jnp.float32)
    W1 = jax.random.normal(ks[3], (E, D, H), dtype=jnp.float32) * (1.0 / math.sqrt(D))
    b1 = jnp.zeros((E, H), dtype=jnp.float32)
    W2 = jax.random.normal(ks[4], (E, H), dtype=jnp.float32) * (1.0 / math.sqrt(H))
    b2 = jnp.zeros((E,), dtype=jnp.float32)
    return {"input_ids": input_ids, "attention_mask": attention_mask, "emb": emb,
            "W_r": W_r, "b_r": b_r, "W1": W1, "b1": b1, "W2": W2, "b2": b2}


def _forward(emb, W_r, b_r, W1, b1, W2, b2, input_ids, attention_mask):
    # Encoder stand-in for pretrained ESM: token embedding lookup -> masked mean pool
    hidden = jnp.take(emb, input_ids, axis=0)  # [B, L, D]
    mask = attention_mask[..., None].astype(hidden.dtype)
    pooled = jnp.sum(hidden * mask, axis=1) / jnp.clip(jnp.sum(mask, axis=1), 1e-9, None)
    B = pooled.shape[0]
    E = W_r.shape[1]
    router_logits = (pooled @ W_r + b_r) / TEMP
    router_probs = jax.nn.softmax(router_logits, axis=-1)
    topk_vals, topk_idx = jax.lax.top_k(router_probs, TOP_K)  # [B, K]
    topk_weights = topk_vals / jnp.clip(jnp.sum(topk_vals, axis=-1, keepdims=True), 1e-9, None)
    capacity = max(1, int(math.ceil(CAPACITY_FACTOR * B * TOP_K / E)))
    # Greedy capacity-constrained acceptance: sort all (token, route) assignments by
    # routing prob descending (detached, as in the torch code), accept first `capacity`
    # per expert in that global order.
    flat_vals = jax.lax.stop_gradient(topk_vals).reshape(-1)  # [B*K]
    flat_exp = topk_idx.reshape(-1)
    order = jnp.argsort(-flat_vals)  # stable, matches python stable sort
    sorted_exp = flat_exp[order]
    onehot = jax.nn.one_hot(sorted_exp, E, dtype=jnp.int32)
    rank_in_exp = jnp.take_along_axis(jnp.cumsum(onehot, axis=0) - 1, sorted_exp[:, None], axis=1)[:, 0]
    accepted_sorted = rank_in_exp < capacity
    accepted_flat = jnp.zeros((B * TOP_K,), dtype=bool).at[order].set(accepted_sorted)
    accepted = accepted_flat.reshape(B, TOP_K)
    # Expert MLPs (Linear(320,128) -> ReLU -> Linear(128,1)); gather per routed expert
    h1 = jax.nn.relu(jnp.einsum('bd,edh->beh', pooled, W1) + b1[None, :, :])
    out_all = jnp.einsum('beh,eh->be', h1, W2) + b2[None, :]
    route_scores = jnp.where(accepted, jnp.take_along_axis(out_all, topk_idx, axis=1), 0.0)
    accepted_weights = topk_weights * accepted.astype(topk_weights.dtype)
    denom = jnp.clip(jnp.sum(accepted_weights, axis=-1, keepdims=True), 1e-9, None)
    merge_weights = accepted_weights / denom
    scores = jnp.sum(merge_weights * route_scores, axis=-1)  # [B]
    return scores


def reference(input_ids, attention_mask, emb, W_r, b_r, W1, b1, W2, b2):
    return _forward(emb, W_r, b_r, W1, b1, W2, b2, input_ids, attention_mask)

if __name__ == "__main__":
    import jax
    _d = setup_inputs()
    print(jax.jit(kernel)(*tuple(_d.values())))

</pallas_src>

<mosaic_0001>
module attributes {stable_mosaic.version = 14 : i64} {
  func.func @_tile_kernel(%arg0: i32, %arg1: memref<128x256xi32, #tpu.memory_space<vmem>>, %arg2: memref<128x256xi32, #tpu.memory_space<vmem>>, %arg3: memref<64x320xf32, #tpu.memory_space<vmem>>, %arg4: memref<320x1024xf32, #tpu.memory_space<vmem>>, %arg5: memref<1x1024xf32, #tpu.memory_space<vmem>>, %arg6: memref<1024x8xf32, #tpu.memory_space<vmem>>, %arg7: memref<1x8xf32, #tpu.memory_space<vmem>>, %arg8: memref<128x320xf32, #tpu.memory_space<vmem>>, %arg9: memref<128x8xf32, #tpu.memory_space<vmem>>) attributes {dimension_semantics = [#tpu.dimension_semantics<arbitrary>], iteration_bounds = array<i64: 8>, scalar_prefetch = 0 : i64, scratch_operands = 0 : i64, tpu.core_type = #tpu.core_type<tc>, window_params = [{transform_indices = @transform_0, window_bounds = array<i64: 128, 256>}, {transform_indices = @transform_1, window_bounds = array<i64: 128, 256>}, {pipeline_mode = #tpu.pipeline_mode<synchronous>, transform_indices = @transform_2, window_bounds = array<i64: 64, 320>}, {pipeline_mode = #tpu.pipeline_mode<synchronous>, transform_indices = @transform_3, window_bounds = array<i64: 320, 1024>}, {pipeline_mode = #tpu.pipeline_mode<synchronous>, transform_indices = @transform_4, window_bounds = array<i64: 1, 1024>}, {pipeline_mode = #tpu.pipeline_mode<synchronous>, transform_indices = @transform_5, window_bounds = array<i64: 1024, 8>}, {pipeline_mode = #tpu.pipeline_mode<synchronous>, transform_indices = @transform_6, window_bounds = array<i64: 1, 8>}, {transform_indices = @transform_7, window_bounds = array<i64: 128, 320>}, {transform_indices = @transform_8, window_bounds = array<i64: 128, 8>}]} {
    %get3A = arith.constant 0 : index
    %get3A_0 = arith.constant 0 : index
    %get3A_1 = vector.load %arg1[%get3A, %get3A_0] : memref<128x256xi32, #tpu.memory_space<vmem>>, vector<128x256xi32>
    %convert_element_type3A = arith.sitofp %get3A_1 : vector<128x256xi32> to vector<128x256xbf16>
    %get3A_2 = arith.constant 0 : index
    %get3A_3 = arith.constant 0 : index
    %get3A_4 = vector.load %arg2[%get3A_2, %get3A_3] : memref<128x256xi32, #tpu.memory_space<vmem>>, vector<128x256xi32>
    %convert_element_type3A_5 = arith.sitofp %get3A_4 : vector<128x256xi32> to vector<128x256xbf16>
    %iota3A = tpu.iota {dimensions = array<i32: 1>} : vector<128x64xi32>
    %broadcast_in_dim3A = arith.constant 0.000000e+00 : f32
    %broadcast_in_dim3A_6 = vector.broadcast %broadcast_in_dim3A : f32 to vector<128x64xf32>
    %eq3A = arith.constant 0.000000e+00 : bf16
    %eq3A_7 = vector.broadcast %eq3A : bf16 to vector<128x256xbf16>
    %eq3A_8 = arith.cmpf oeq, %convert_element_type3A, %eq3A_7 : vector<128x256xbf16>
    %jit3A = arith.constant 0 : i32
    %convert_element_type3A_9 = arith.sitofp %jit3A : i32 to bf16
    %broadcast_in_dim3A_10 = vector.broadcast %convert_element_type3A_9 : bf16 to vector<128x256xbf16>
    %select_n3A = arith.select %eq3A_8, %convert_element_type3A_5, %broadcast_in_dim3A_10 : vector<128x256xi1>, vector<128x256xbf16>
    %convert_element_type3A_11 = arith.extf %select_n3A : vector<128x256xbf16> to vector<128x256xf32>
    %reduce_sum3A = arith.constant dense<0.000000e+00> : vector<128xf32>
    %reduce_sum3A_12 = vector.multi_reduction <add>, %convert_element_type3A_11, %reduce_sum3A [1] : vector<128x256xf32> to vector<128xf32>
    %convert_element_type3A_13 = arith.truncf %reduce_sum3A_12 : vector<128xf32> to vector<128xbf16>
    %convert_element_type3A_14 = arith.extf %convert_element_type3A_13 : vector<128xbf16> to vector<128xf32>
    %broadcast_in_dim3A_15 = vector.shape_cast %convert_element_type3A_14 : vector<128xf32> to vector<128x1xf32>
    %eq3A_16 = arith.constant 0 : i32
    %eq3A_17 = vector.broadcast %eq3A_16 : i32 to vector<128x64xi32>
    %eq3A_18 = arith.cmpi eq, %iota3A, %eq3A_17 : vector<128x64xi32>
    %convert_element_type3A_19 = arith.extui %eq3A_18 : vector<128x64xi1> to vector<128x64xi32>
    %convert_element_type3A_20 = arith.sitofp %convert_element_type3A_19 : vector<128x64xi32> to vector<128x64xf32>
    %mul3A = vector.broadcast %broadcast_in_dim3A_15 : vector<128x1xf32> to vector<128x64xf32>
    %mul3A_21 = arith.mulf %mul3A, %convert_element_type3A_20 : vector<128x64xf32>
    %add3A = arith.addf %broadcast_in_dim3A_6, %mul3A_21 : vector<128x64xf32>
    %eq3A_22 = arith.constant 1.000000e+00 : bf16
    %eq3A_23 = vector.broadcast %eq3A_22 : bf16 to vector<128x256xbf16>
    %eq3A_24 = arith.cmpf oeq, %convert_element_type3A, %eq3A_23 : vector<128x256xbf16>
    %jit3A_25 = arith.constant 0 : i32
    %convert_element_type3A_26 = arith.sitofp %jit3A_25 : i32 to bf16
    %broadcast_in_dim3A_27 = vector.broadcast %convert_element_type3A_26 : bf16 to vector<128x256xbf16>
    %select_n3A_28 = arith.select %eq3A_24, %convert_element_type3A_5, %broadcast_in_dim3A_27 : vector<128x256xi1>, vector<128x256xbf16>
    %convert_element_type3A_29 = arith.extf %select_n3A_28 : vector<128x256xbf16> to vector<128x256xf32>
    %reduce_sum3A_30 = arith.constant dense<0.000000e+00> : vector<128xf32>
    %reduce_sum3A_31 = vector.multi_reduction <add>, %convert_element_type3A_29, %reduce_sum3A_30 [1] : vector<128x256xf32> to vector<128xf32>
    %convert_element_type3A_32 = arith.truncf %reduce_sum3A_31 : vector<128xf32> to vector<128xbf16>
    %convert_element_type3A_33 = arith.extf %convert_element_type3A_32 : vector<128xbf16> to vector<128xf32>
    %broadcast_in_dim3A_34 = vector.shape_cast %convert_element_type3A_33 : vector<128xf32> to vector<128x1xf32>
    %eq3A_35 = arith.constant 1 : i32
    %eq3A_36 = vector.broadcast %eq3A_35 : i32 to vector<128x64xi32>
    %eq3A_37 = arith.cmpi eq, %iota3A, %eq3A_36 : vector<128x64xi32>
    %convert_element_type3A_38 = arith.extui %eq3A_37 : vector<128x64xi1> to vector<128x64xi32>
    %convert_element_type3A_39 = arith.sitofp %convert_element_type3A_38 : vector<128x64xi32> to vector<128x64xf32>
    %mul3A_40 = vector.broadcast %broadcast_in_dim3A_34 : vector<128x1xf32> to vector<128x64xf32>
    %mul3A_41 = arith.mulf %mul3A_40, %convert_element_type3A_39 : vector<128x64xf32>
    %add3A_42 = arith.addf %add3A, %mul3A_41 : vector<128x64xf32>
    %eq3A_43 = arith.constant 2.000000e+00 : bf16
    %eq3A_44 = vector.broadcast %eq3A_43 : bf16 to vector<128x256xbf16>
    %eq3A_45 = arith.cmpf oeq, %convert_element_type3A, %eq3A_44 : vector<128x256xbf16>
    %jit3A_46 = arith.constant 0 : i32
    %convert_element_type3A_47 = arith.sitofp %jit3A_46 : i32 to bf16
    %broadcast_in_dim3A_48 = vector.broadcast %convert_element_type3A_47 : bf16 to vector<128x256xbf16>
    %select_n3A_49 = arith.select %eq3A_45, %convert_element_type3A_5, %broadcast_in_dim3A_48 : vector<128x256xi1>, vector<128x256xbf16>
    %convert_element_type3A_50 = arith.extf %select_n3A_49 : vector<128x256xbf16> to vector<128x256xf32>
    %reduce_sum3A_51 = arith.constant dense<0.000000e+00> : vector<128xf32>
    %reduce_sum3A_52 = vector.multi_reduction <add>, %convert_element_type3A_50, %reduce_sum3A_51 [1] : vector<128x256xf32> to vector<128xf32>
    %convert_element_type3A_53 = arith.truncf %reduce_sum3A_52 : vector<128xf32> to vector<128xbf16>
    %convert_element_type3A_54 = arith.extf %convert_element_type3A_53 : vector<128xbf16> to vector<128xf32>
    %broadcast_in_dim3A_55 = vector.shape_cast %convert_element_type3A_54 : vector<128xf32> to vector<128x1xf32>
    %eq3A_56 = arith.constant 2 : i32
    %eq3A_57 = vector.broadcast %eq3A_56 : i32 to vector<128x64xi32>
    %eq3A_58 = arith.cmpi eq, %iota3A, %eq3A_57 : vector<128x64xi32>
    %convert_element_type3A_59 = arith.extui %eq3A_58 : vector<128x64xi1> to vector<128x64xi32>
    %convert_element_type3A_60 = arith.sitofp %convert_element_type3A_59 : vector<128x64xi32> to vector<128x64xf32>
    %mul3A_61 = vector.broadcast %broadcast_in_dim3A_55 : vector<128x1xf32> to vector<128x64xf32>
    %mul3A_62 = arith.mulf %mul3A_61, %convert_element_type3A_60 : vector<128x64xf32>
    %add3A_63 = arith.addf %add3A_42, %mul3A_62 : vector<128x64xf32>
    %eq3A_64 = arith.constant 3.000000e+00 : bf16
    %eq3A_65 = vector.broadcast %eq3A_64 : bf16 to vector<128x256xbf16>
    %eq3A_66 = arith.cmpf oeq, %convert_element_type3A, %eq3A_65 : vector<128x256xbf16>
    %jit3A_67 = arith.constant 0 : i32
    %convert_element_type3A_68 = arith.sitofp %jit3A_67 : i32 to bf16
    %broadcast_in_dim3A_69 = vector.broadcast %convert_element_type3A_68 : bf16 to vector<128x256xbf16>
    %select_n3A_70 = arith.select %eq3A_66, %convert_element_type3A_5, %broadcast_in_dim3A_69 : vector<128x256xi1>, vector<128x256xbf16>
    %convert_element_type3A_71 = arith.extf %select_n3A_70 : vector<128x256xbf16> to vector<128x256xf32>
    %reduce_sum3A_72 = arith.constant dense<0.000000e+00> : vector<128xf32>
    %reduce_sum3A_73 = vector.multi_reduction <add>, %convert_element_type3A_71, %reduce_sum3A_72 [1] : vector<128x256xf32> to vector<128xf32>
    %convert_element_type3A_74 = arith.truncf %reduce_sum3A_73 : vector<128xf32> to vector<128xbf16>
    %convert_element_type3A_75 = arith.extf %convert_element_type3A_74 : vector<128xbf16> to vector<128xf32>
    %broadcast_in_dim3A_76 = vector.shape_cast %convert_element_type3A_75 : vector<128xf32> to vector<128x1xf32>
    %eq3A_77 = arith.constant 3 : i32
    %eq3A_78 = vector.broadcast %eq3A_77 : i32 to vector<128x64xi32>
    %eq3A_79 = arith.cmpi eq, %iota3A, %eq3A_78 : vector<128x64xi32>
    %convert_element_type3A_80 = arith.extui %eq3A_79 : vector<128x64xi1> to vector<128x64xi32>
    %convert_element_type3A_81 = arith.sitofp %convert_element_type3A_80 : vector<128x64xi32> to vector<128x64xf32>
    %mul3A_82 = vector.broadcast %broadcast_in_dim3A_76 : vector<128x1xf32> to vector<128x64xf32>
    %mul3A_83 = arith.mulf %mul3A_82, %convert_element_type3A_81 : vector<128x64xf32>
    %add3A_84 = arith.addf %add3A_63, %mul3A_83 : vector<128x64xf32>
    %eq3A_85 = arith.constant 4.000000e+00 : bf16
    %eq3A_86 = vector.broadcast %eq3A_85 : bf16 to vector<128x256xbf16>
    %eq3A_87 = arith.cmpf oeq, %convert_element_type3A, %eq3A_86 : vector<128x256xbf16>
    %jit3A_88 = arith.constant 0 : i32
    %convert_element_type3A_89 = arith.sitofp %jit3A_88 : i32 to bf16
    %broadcast_in_dim3A_90 = vector.broadcast %convert_element_type3A_89 : bf16 to vector<128x256xbf16>
    %select_n3A_91 = arith.select %eq3A_87, %convert_element_type3A_5, %broadcast_in_dim3A_90 : vector<128x256xi1>, vector<128x256xbf16>
    %convert_element_type3A_92 = arith.extf %select_n3A_91 : vector<128x256xbf16> to vector<128x256xf32>
    %reduce_sum3A_93 = arith.constant dense<0.000000e+00> : vector<128xf32>
    %reduce_sum3A_94 = vector.multi_reduction <add>, %convert_element_type3A_92, %reduce_sum3A_93 [1] : vector<128x256xf32> to vector<128xf32>
    %convert_element_type3A_95 = arith.truncf %reduce_sum3A_94 : vector<128xf32> to vector<128xbf16>
    %convert_element_type3A_96 = arith.extf %convert_element_type3A_95 : vector<128xbf16> to vector<128xf32>
    %broadcast_in_dim3A_97 = vector.shape_cast %convert_element_type3A_96 : vector<128xf32> to vector<128x1xf32>
    %eq3A_98 = arith.constant 4 : i32
    %eq3A_99 = vector.broadcast %eq3A_98 : i32 to vector<128x64xi32>
    %eq3A_100 = arith.cmpi eq, %iota3A, %eq3A_99 : vector<128x64xi32>
    %convert_element_type3A_101 = arith.extui %eq3A_100 : vector<128x64xi1> to vector<128x64xi32>
    %convert_element_type3A_102 = arith.sitofp %convert_element_type3A_101 : vector<128x64xi32> to vector<128x64xf32>
    %mul3A_103 = vector.broadcast %broadcast_in_dim3A_97 : vector<128x1xf32> to vector<128x64xf32>
    %mul3A_104 = arith.mulf %mul3A_103, %convert_element_type3A_102 : vector<128x64xf32>
    %add3A_105 = arith.addf %add3A_84, %mul3A_104 : vector<128x64xf32>
    %eq3A_106 = arith.constant 5.000000e+00 : bf16
    %eq3A_107 = vector.broadcast %eq3A_106 : bf16 to vector<128x256xbf16>
    %eq3A_108 = arith.cmpf oeq, %convert_element_type3A, %eq3A_107 : vector<128x256xbf16>
    %jit3A_109 = arith.constant 0 : i32
    %convert_element_type3A_110 = arith.sitofp %jit3A_109 : i32 to bf16
    %broadcast_in_dim3A_111 = vector.broadcast %convert_element_type3A_110 : bf16 to vector<128x256xbf16>
    %select_n3A_112 = arith.select %eq3A_108, %convert_element_type3A_5, %broadcast_in_dim3A_111 : vector<128x256xi1>, vector<128x256xbf16>
    %convert_element_type3A_113 = arith.extf %select_n3A_112 : vector<128x256xbf16> to vector<128x256xf32>
    %reduce_sum3A_114 = arith.constant dense<0.000000e+00> : vector<128xf32>
    %reduce_sum3A_115 = vector.multi_reduction <add>, %convert_element_type3A_113, %reduce_sum3A_114 [1] : vector<128x256xf32> to vector<128xf32>
    %convert_element_type3A_116 = arith.truncf %reduce_sum3A_115 : vector<128xf32> to vector<128xbf16>
    %convert_element_type3A_117 = arith.extf %convert_element_type3A_116 : vector<128xbf16> to vector<128xf32>
    %broadcast_in_dim3A_118 = vector.shape_cast %convert_element_type3A_117 : vector<128xf32> to vector<128x1xf32>
    %eq3A_119 = arith.constant 5 : i32
    %eq3A_120 = vector.broadcast %eq3A_119 : i32 to vector<128x64xi32>
    %eq3A_121 = arith.cmpi eq, %iota3A, %eq3A_120 : vector<128x64xi32>
    %convert_element_type3A_122 = arith.extui %eq3A_121 : vector<128x64xi1> to vector<128x64xi32>
    %convert_element_type3A_123 = arith.sitofp %convert_element_type3A_122 : vector<128x64xi32> to vector<128x64xf32>
    %mul3A_124 = vector.broadcast %broadcast_in_dim3A_118 : vector<128x1xf32> to vector<128x64xf32>
    %mul3A_125 = arith.mulf %mul3A_124, %convert_element_type3A_123 : vector<128x64xf32>
    %add3A_126 = arith.addf %add3A_105, %mul3A_125 : vector<128x64xf32>
    %eq3A_127 = arith.constant 6.000000e+00 : bf16
    %eq3A_128 = vector.broadcast %eq3A_127 : bf16 to vector<128x256xbf16>
    %eq3A_129 = arith.cmpf oeq, %convert_element_type3A, %eq3A_128 : vector<128x256xbf16>
    %jit3A_130 = arith.constant 0 : i32
    %convert_element_type3A_131 = arith.sitofp %jit3A_130 : i32 to bf16
    %broadcast_in_dim3A_132 = vector.broadcast %convert_element_type3A_131 : bf16 to vector<128x256xbf16>
    %select_n3A_133 = arith.select %eq3A_129, %convert_element_type3A_5, %broadcast_in_dim3A_132 : vector<128x256xi1>, vector<128x256xbf16>
    %convert_element_type3A_134 = arith.extf %select_n3A_133 : vector<128x256xbf16> to vector<128x256xf32>
    %reduce_sum3A_135 = arith.constant dense<0.000000e+00> : vector<128xf32>
    %reduce_sum3A_136 = vector.multi_reduction <add>, %convert_element_type3A_134, %reduce_sum3A_135 [1] : vector<128x256xf32> to vector<128xf32>
    %convert_element_type3A_137 = arith.truncf %reduce_sum3A_136 : vector<128xf32> to vector<128xbf16>
    %convert_element_type3A_138 = arith.extf %convert_element_type3A_137 : vector<128xbf16> to vector<128xf32>
    %broadcast_in_dim3A_139 = vector.shape_cast %convert_element_type3A_138 : vector<128xf32> to vector<128x1xf32>
    %eq3A_140 = arith.constant 6 : i32
    %eq3A_141 = vector.broadcast %eq3A_140 : i32 to vector<128x64xi32>
    %eq3A_142 = arith.cmpi eq, %iota3A, %eq3A_141 : vector<128x64xi32>
    %convert_element_type3A_143 = arith.extui %eq3A_142 : vector<128x64xi1> to vector<128x64xi32>
    %convert_element_type3A_144 = arith.sitofp %convert_element_type3A_143 : vector<128x64xi32> to vector<128x64xf32>
    %mul3A_145 = vector.broadcast %broadcast_in_dim3A_139 : vector<128x1xf32> to vector<128x64xf32>
    %mul3A_146 = arith.mulf %mul3A_145, %convert_element_type3A_144 : vector<128x64xf32>
    %add3A_147 = arith.addf %add3A_126, %mul3A_146 : vector<128x64xf32>
    %eq3A_148 = arith.constant 7.000000e+00 : bf16
    %eq3A_149 = vector.broadcast %eq3A_148 : bf16 to vector<128x256xbf16>
    %eq3A_150 = arith.cmpf oeq, %convert_element_type3A, %eq3A_149 : vector<128x256xbf16>
    %jit3A_151 = arith.constant 0 : i32
    %convert_element_type3A_152 = arith.sitofp %jit3A_151 : i32 to bf16
    %broadcast_in_dim3A_153 = vector.broadcast %convert_element_type3A_152 : bf16 to vector<128x256xbf16>
    %select_n3A_154 = arith.select %eq3A_150, %convert_element_type3A_5, %broadcast_in_dim3A_153 : vector<128x256xi1>, vector<128x256xbf16>
    %convert_element_type3A_155 = arith.extf %select_n3A_154 : vector<128x256xbf16> to vector<128x256xf32>
    %reduce_sum3A_156 = arith.constant dense<0.000000e+00> : vector<128xf32>
    %reduce_sum3A_157 = vector.multi_reduction <add>, %convert_element_type3A_155, %reduce_sum3A_156 [1] : vector<128x256xf32> to vector<128xf32>
    %convert_element_type3A_158 = arith.truncf %reduce_sum3A_157 : vector<128xf32> to vector<128xbf16>
    %convert_element_type3A_159 = arith.extf %convert_element_type3A_158 : vector<128xbf16> to vector<128xf32>
    %broadcast_in_dim3A_160 = vector.shape_cast %convert_element_type3A_159 : vector<128xf32> to vector<128x1xf32>
    %eq3A_161 = arith.constant 7 : i32
    %eq3A_162 = vector.broadcast %eq3A_161 : i32 to vector<128x64xi32>
    %eq3A_163 = arith.cmpi eq, %iota3A, %eq3A_162 : vector<128x64xi32>
    %convert_element_type3A_164 = arith.extui %eq3A_163 : vector<128x64xi1> to vector<128x64xi32>
    %convert_element_type3A_165 = arith.sitofp %convert_element_type3A_164 : vector<128x64xi32> to vector<128x64xf32>
    %mul3A_166 = vector.broadcast %broadcast_in_dim3A_160 : vector<128x1xf32> to vector<128x64xf32>
    %mul3A_167 = arith.mulf %mul3A_166, %convert_element_type3A_165 : vector<128x64xf32>
    %add3A_168 = arith.addf %add3A_147, %mul3A_167 : vector<128x64xf32>
    %eq3A_169 = arith.constant 8.000000e+00 : bf16
    %eq3A_170 = vector.broadcast %eq3A_169 : bf16 to vector<128x256xbf16>
    %eq3A_171 = arith.cmpf oeq, %convert_element_type3A, %eq3A_170 : vector<128x256xbf16>
    %jit3A_172 = arith.constant 0 : i32
    %convert_element_type3A_173 = arith.sitofp %jit3A_172 : i32 to bf16
    %broadcast_in_dim3A_174 = vector.broadcast %convert_element_type3A_173 : bf16 to vector<128x256xbf16>
    %select_n3A_175 = arith.select %eq3A_171, %convert_element_type3A_5, %broadcast_in_dim3A_174 : vector<128x256xi1>, vector<128x256xbf16>
    %convert_element_type3A_176 = arith.extf %select_n3A_175 : vector<128x256xbf16> to vector<128x256xf32>
    %reduce_sum3A_177 = arith.constant dense<0.000000e+00> : vector<128xf32>
    %reduce_sum3A_178 = vector.multi_reduction <add>, %convert_element_type3A_176, %reduce_sum3A_177 [1] : vector<128x256xf32> to vector<128xf32>
    %convert_element_type3A_179 = arith.truncf %reduce_sum3A_178 : vector<128xf32> to vector<128xbf16>
    %convert_element_type3A_180 = arith.extf %convert_element_type3A_179 : vector<128xbf16> to vector<128xf32>
    %broadcast_in_dim3A_181 = vector.shape_cast %convert_element_type3A_180 : vector<128xf32> to vector<128x1xf32>
    %eq3A_182 = arith.constant 8 : i32
    %eq3A_183 = vector.broadcast %eq3A_182 : i32 to vector<128x64xi32>
    %eq3A_184 = arith.cmpi eq, %iota3A, %eq3A_183 : vector<128x64xi32>
    %convert_element_type3A_185 = arith.extui %eq3A_184 : vector<128x64xi1> to vector<128x64xi32>
    %convert_element_type3A_186 = arith.sitofp %convert_element_type3A_185 : vector<128x64xi32> to vector<128x64xf32>
    %mul3A_187 = vector.broadcast %broadcast_in_dim3A_181 : vector<128x1xf32> to vector<128x64xf32>
    %mul3A_188 = arith.mulf %mul3A_187, %convert_element_type3A_186 : vector<128x64xf32>
    %add3A_189 = arith.addf %add3A_168, %mul3A_188 : vector<128x64xf32>
    %eq3A_190 = arith.constant 9.000000e+00 : bf16
    %eq3A_191 = vector.broadcast %eq3A_190 : bf16 to vector<128x256xbf16>
    %eq3A_192 = arith.cmpf oeq, %convert_element_type3A, %eq3A_191 : vector<128x256xbf16>
    %jit3A_193 = arith.constant 0 : i32
    %convert_element_type3A_194 = arith.sitofp %jit3A_193 : i32 to bf16
    %broadcast_in_dim3A_195 = vector.broadcast %convert_element_type3A_194 : bf16 to vector<128x256xbf16>
    %select_n3A_196 = arith.select %eq3A_192, %convert_element_type3A_5, %broadcast_in_dim3A_195 : vector<128x256xi1>, vector<128x256xbf16>
    %convert_element_type3A_197 = arith.extf %select_n3A_196 : vector<128x256xbf16> to vector<128x256xf32>
    %reduce_sum3A_198 = arith.constant dense<0.000000e+00> : vector<128xf32>
    %reduce_sum3A_199 = vector.multi_reduction <add>, %convert_element_type3A_197, %reduce_sum3A_198 [1] : vector<128x256xf32> to vector<128xf32>
    %convert_element_type3A_200 = arith.truncf %reduce_sum3A_199 : vector<128xf32> to vector<128xbf16>
    %convert_element_type3A_201 = arith.extf %convert_element_type3A_200 : vector<128xbf16> to vector<128xf32>
    %broadcast_in_dim3A_202 = vector.shape_cast %convert_element_type3A_201 : vector<128xf32> to vector<128x1xf32>
    %eq3A_203 = arith.constant 9 : i32
    %eq3A_204 = vector.broadcast %eq3A_203 : i32 to vector<128x64xi32>
    %eq3A_205 = arith.cmpi eq, %iota3A, %eq3A_204 : vector<128x64xi32>
    %convert_element_type3A_206 = arith.extui %eq3A_205 : vector<128x64xi1> to vector<128x64xi32>
    %convert_element_type3A_207 = arith.sitofp %convert_element_type3A_206 : vector<128x64xi32> to vector<128x64xf32>
    %mul3A_208 = vector.broadcast %broadcast_in_dim3A_202 : vector<128x1xf32> to vector<128x64xf32>
    %mul3A_209 = arith.mulf %mul3A_208, %convert_element_type3A_207 : vector<128x64xf32>
    %add3A_210 = arith.addf %add3A_189, %mul3A_209 : vector<128x64xf32>
    %eq3A_211 = arith.constant 1.000000e+01 : bf16
    %eq3A_212 = vector.broadcast %eq3A_211 : bf16 to vector<128x256xbf16>
    %eq3A_213 = arith.cmpf oeq, %convert_element_type3A, %eq3A_212 : vector<128x256xbf16>
    %jit3A_214 = arith.constant 0 : i32
    %convert_element_type3A_215 = arith.sitofp %jit3A_214 : i32 to bf16
    %broadcast_in_dim3A_216 = vector.broadcast %convert_element_type3A_215 : bf16 to vector<128x256xbf16>
    %select_n3A_217 = arith.select %eq3A_213, %convert_element_type3A_5, %broadcast_in_dim3A_216 : vector<128x256xi1>, vector<128x256xbf16>
    %convert_element_type3A_218 = arith.extf %select_n3A_217 : vector<128x256xbf16> to vector<128x256xf32>
    %reduce_sum3A_219 = arith.constant dense<0.000000e+00> : vector<128xf32>
    %reduce_sum3A_220 = vector.multi_reduction <add>, %convert_element_type3A_218, %reduce_sum3A_219 [1] : vector<128x256xf32> to vector<128xf32>
    %convert_element_type3A_221 = arith.truncf %reduce_sum3A_220 : vector<128xf32> to vector<128xbf16>
    %convert_element_type3A_222 = arith.extf %convert_element_type3A_221 : vector<128xbf16> to vector<128xf32>
    %broadcast_in_dim3A_223 = vector.shape_cast %convert_element_type3A_222 : vector<128xf32> to vector<128x1xf32>
    %eq3A_224 = arith.constant 10 : i32
    %eq3A_225 = vector.broadcast %eq3A_224 : i32 to vector<128x64xi32>
    %eq3A_226 = arith.cmpi eq, %iota3A, %eq3A_225 : vector<128x64xi32>
    %convert_element_type3A_227 = arith.extui %eq3A_226 : vector<128x64xi1> to vector<128x64xi32>
    %convert_element_type3A_228 = arith.sitofp %convert_element_type3A_227 : vector<128x64xi32> to vector<128x64xf32>
    %mul3A_229 = vector.broadcast %broadcast_in_dim3A_223 : vector<128x1xf32> to vector<128x64xf32>
    %mul3A_230 = arith.mulf %mul3A_229, %convert_element_type3A_228 : vector<128x64xf32>
    %add3A_231 = arith.addf %add3A_210, %mul3A_230 : vector<128x64xf32>
    %eq3A_232 = arith.constant 1.100000e+01 : bf16
    %eq3A_233 = vector.broadcast %eq3A_232 : bf16 to vector<128x256xbf16>
    %eq3A_234 = arith.cmpf oeq, %convert_element_type3A, %eq3A_233 : vector<128x256xbf16>
    %jit3A_235 = arith.constant 0 : i32
    %convert_element_type3A_236 = arith.sitofp %jit3A_235 : i32 to bf16
    %broadcast_in_dim3A_237 = vector.broadcast %convert_element_type3A_236 : bf16 to vector<128x256xbf16>
    %select_n3A_238 = arith.select %eq3A_234, %convert_element_type3A_5, %broadcast_in_dim3A_237 : vector<128x256xi1>, vector<128x256xbf16>
    %convert_element_type3A_239 = arith.extf %select_n3A_238 : vector<128x256xbf16> to vector<128x256xf32>
    %reduce_sum3A_240 = arith.constant dense<0.000000e+00> : vector<128xf32>
    %reduce_sum3A_241 = vector.multi_reduction <add>, %convert_element_type3A_239, %reduce_sum3A_240 [1] : vector<128x256xf32> to vector<128xf32>
    %convert_element_type3A_242 = arith.truncf %reduce_sum3A_241 : vector<128xf32> to vector<128xbf16>
    %convert_element_type3A_243 = arith.extf %convert_element_type3A_242 : vector<128xbf16> to vector<128xf32>
    %broadcast_in_dim3A_244 = vector.shape_cast %convert_element_type3A_243 : vector<128xf32> to vector<128x1xf32>
    %eq3A_245 = arith.constant 11 : i32
    %eq3A_246 = vector.broadcast %eq3A_245 : i32 to vector<128x64xi32>
    %eq3A_247 = arith.cmpi eq, %iota3A, %eq3A_246 : vector<128x64xi32>
    %convert_element_type3A_248 = arith.extui %eq3A_247 : vector<128x64xi1> to vector<128x64xi32>
    %convert_element_type3A_249 = arith.sitofp %convert_element_type3A_248 : vector<128x64xi32> to vector<128x64xf32>
    %mul3A_250 = vector.broadcast %broadcast_in_dim3A_244 : vector<128x1xf32> to vector<128x64xf32>
    %mul3A_251 = arith.mulf %mul3A_250, %convert_element_type3A_249 : vector<128x64xf32>
    %add3A_252 = arith.addf %add3A_231, %mul3A_251 : vector<128x64xf32>
    %eq3A_253 = arith.constant 1.200000e+01 : bf16
    %eq3A_254 = vector.broadcast %eq3A_253 : bf16 to vector<128x256xbf16>
    %eq3A_255 = arith.cmpf oeq, %convert_element_type3A, %eq3A_254 : vector<128x256xbf16>
    %jit3A_256 = arith.constant 0 : i32
    %convert_element_type3A_257 = arith.sitofp %jit3A_256 : i32 to bf16
    %broadcast_in_dim3A_258 = vector.broadcast %convert_element_type3A_257 : bf16 to vector<128x256xbf16>
    %select_n3A_259 = arith.select %eq3A_255, %convert_element_type3A_5, %broadcast_in_dim3A_258 : vector<128x256xi1>, vector<128x256xbf16>
    %convert_element_type3A_260 = arith.extf %select_n3A_259 : vector<128x256xbf16> to vector<128x256xf32>
    %reduce_sum3A_261 = arith.constant dense<0.000000e+00> : vector<128xf32>
    %reduce_sum3A_262 = vector.multi_reduction <add>, %convert_element_type3A_260, %reduce_sum3A_261 [1] : vector<128x256xf32> to vector<128xf32>
    %convert_element_type3A_263 = arith.truncf %reduce_sum3A_262 : vector<128xf32> to vector<128xbf16>
    %convert_element_type3A_264 = arith.extf %convert_element_type3A_263 : vector<128xbf16> to vector<128xf32>
    %broadcast_in_dim3A_265 = vector.shape_cast %convert_element_type3A_264 : vector<128xf32> to vector<128x1xf32>
    %eq3A_266 = arith.constant 12 : i32
    %eq3A_267 = vector.broadcast %eq3A_266 : i32 to vector<128x64xi32>
    %eq3A_268 = arith.cmpi eq, %iota3A, %eq3A_267 : vector<128x64xi32>
    %convert_element_type3A_269 = arith.extui %eq3A_268 : vector<128x64xi1> to vector<128x64xi32>
    %convert_element_type3A_270 = arith.sitofp %convert_element_type3A_269 : vector<128x64xi32> to vector<128x64xf32>
    %mul3A_271 = vector.broadcast %broadcast_in_dim3A_265 : vector<128x1xf32> to vector<128x64xf32>
    %mul3A_272 = arith.mulf %mul3A_271, %convert_element_type3A_270 : vector<128x64xf32>
    %add3A_273 = arith.addf %add3A_252, %mul3A_272 : vector<128x64xf32>
    %eq3A_274 = arith.constant 1.300000e+01 : bf16
    %eq3A_275 = vector.broadcast %eq3A_274 : bf16 to vector<128x256xbf16>
    %eq3A_276 = arith.cmpf oeq, %convert_element_type3A, %eq3A_275 : vector<128x256xbf16>
    %jit3A_277 = arith.constant 0 : i32
    %convert_element_type3A_278 = arith.sitofp %jit3A_277 : i32 to bf16
    %broadcast_in_dim3A_279 = vector.broadcast %convert_element_type3A_278 : bf16 to vector<128x256xbf16>
    %select_n3A_280 = arith.select %eq3A_276, %convert_element_type3A_5, %broadcast_in_dim3A_279 : vector<128x256xi1>, vector<128x256xbf16>
    %convert_element_type3A_281 = arith.extf %select_n3A_280 : vector<128x256xbf16> to vector<128x256xf32>
    %reduce_sum3A_282 = arith.constant dense<0.000000e+00> : vector<128xf32>
    %reduce_sum3A_283 = vector.multi_reduction <add>, %convert_element_type3A_281, %reduce_sum3A_282 [1] : vector<128x256xf32> to vector<128xf32>
    %convert_element_type3A_284 = arith.truncf %reduce_sum3A_283 : vector<128xf32> to vector<128xbf16>
    %convert_element_type3A_285 = arith.extf %convert_element_type3A_284 : vector<128xbf16> to vector<128xf32>
    %broadcast_in_dim3A_286 = vector.shape_cast %convert_element_type3A_285 : vector<128xf32> to vector<128x1xf32>
    %eq3A_287 = arith.constant 13 : i32
    %eq3A_288 = vector.broadcast %eq3A_287 : i32 to vector<128x64xi32>
    %eq3A_289 = arith.cmpi eq, %iota3A, %eq3A_288 : vector<128x64xi32>
    %convert_element_type3A_290 = arith.extui %eq3A_289 : vector<128x64xi1> to vector<128x64xi32>
    %convert_element_type3A_291 = arith.sitofp %convert_element_type3A_290 : vector<128x64xi32> to vector<128x64xf32>
    %mul3A_292 = vector.broadcast %broadcast_in_dim3A_286 : vector<128x1xf32> to vector<128x64xf32>
    %mul3A_293 = arith.mulf %mul3A_292, %convert_element_type3A_291 : vector<128x64xf32>
    %add3A_294 = arith.addf %add3A_273, %mul3A_293 : vector<128x64xf32>
    %eq3A_295 = arith.constant 1.400000e+01 : bf16
    %eq3A_296 = vector.broadcast %eq3A_295 : bf16 to vector<128x256xbf16>
    %eq3A_297 = arith.cmpf oeq, %convert_element_type3A, %eq3A_296 : vector<128x256xbf16>
    %jit3A_298 = arith.constant 0 : i32
    %convert_element_type3A_299 = arith.sitofp %jit3A_298 : i32 to bf16
    %broadcast_in_dim3A_300 = vector.broadcast %convert_element_type3A_299 : bf16 to vector<128x256xbf16>
    %select_n3A_301 = arith.select %eq3A_297, %convert_element_type3A_5, %broadcast_in_dim3A_300 : vector<128x256xi1>, vector<128x256xbf16>
    %convert_element_type3A_302 = arith.extf %select_n3A_301 : vector<128x256xbf16> to vector<128x256xf32>
    %reduce_sum3A_303 = arith.constant dense<0.000000e+00> : vector<128xf32>
    %reduce_sum3A_304 = vector.multi_reduction <add>, %convert_element_type3A_302, %reduce_sum3A_303 [1] : vector<128x256xf32> to vector<128xf32>
    %convert_element_type3A_305 = arith.truncf %reduce_sum3A_304 : vector<128xf32> to vector<128xbf16>
    %convert_element_type3A_306 = arith.extf %convert_element_type3A_305 : vector<128xbf16> to vector<128xf32>
    %broadcast_in_dim3A_307 = vector.shape_cast %convert_element_type3A_306 : vector<128xf32> to vector<128x1xf32>
    %eq3A_308 = arith.constant 14 : i32
    %eq3A_309 = vector.broadcast %eq3A_308 : i32 to vector<128x64xi32>
    %eq3A_310 = arith.cmpi eq, %iota3A, %eq3A_309 : vector<128x64xi32>
    %convert_element_type3A_311 = arith.extui %eq3A_310 : vector<128x64xi1> to vector<128x64xi32>
    %convert_element_type3A_312 = arith.sitofp %convert_element_type3A_311 : vector<128x64xi32> to vector<128x64xf32>
    %mul3A_313 = vector.broadcast %broadcast_in_dim3A_307 : vector<128x1xf32> to vector<128x64xf32>
    %mul3A_314 = arith.mulf %mul3A_313, %convert_element_type3A_312 : vector<128x64xf32>
    %add3A_315 = arith.addf %add3A_294, %mul3A_314 : vector<128x64xf32>
    %eq3A_316 = arith.constant 1.500000e+01 : bf16
    %eq3A_317 = vector.broadcast %eq3A_316 : bf16 to vector<128x256xbf16>
    %eq3A_318 = arith.cmpf oeq, %convert_element_type3A, %eq3A_317 : vector<128x256xbf16>
    %jit3A_319 = arith.constant 0 : i32
    %convert_element_type3A_320 = arith.sitofp %jit3A_319 : i32 to bf16
    %broadcast_in_dim3A_321 = vector.broadcast %convert_element_type3A_320 : bf16 to vector<128x256xbf16>
    %select_n3A_322 = arith.select %eq3A_318, %convert_element_type3A_5, %broadcast_in_dim3A_321 : vector<128x256xi1>, vector<128x256xbf16>
    %convert_element_type3A_323 = arith.extf %select_n3A_322 : vector<128x256xbf16> to vector<128x256xf32>
    %reduce_sum3A_324 = arith.constant dense<0.000000e+00> : vector<128xf32>
    %reduce_sum3A_325 = vector.multi_reduction <add>, %convert_element_type3A_323, %reduce_sum3A_324 [1] : vector<128x256xf32> to vector<128xf32>
    %convert_element_type3A_326 = arith.truncf %reduce_sum3A_325 : vector<128xf32> to vector<128xbf16>
    %convert_element_type3A_327 = arith.extf %convert_element_type3A_326 : vector<128xbf16> to vector<128xf32>
    %broadcast_in_dim3A_328 = vector.shape_cast %convert_element_type3A_327 : vector<128xf32> to vector<128x1xf32>
    %eq3A_329 = arith.constant 15 : i32
    %eq3A_330 = vector.broadcast %eq3A_329 : i32 to vector<128x64xi32>
    %eq3A_331 = arith.cmpi eq, %iota3A, %eq3A_330 : vector<128x64xi32>
    %convert_element_type3A_332 = arith.extui %eq3A_331 : vector<128x64xi1> to vector<128x64xi32>
    %convert_element_type3A_333 = arith.sitofp %convert_element_type3A_332 : vector<128x64xi32> to vector<128x64xf32>
    %mul3A_334 = vector.broadcast %broadcast_in_dim3A_328 : vector<128x1xf32> to vector<128x64xf32>
    %mul3A_335 = arith.mulf %mul3A_334, %convert_element_type3A_333 : vector<128x64xf32>
    %add3A_336 = arith.addf %add3A_315, %mul3A_335 : vector<128x64xf32>
    %eq3A_337 = arith.constant 1.600000e+01 : bf16
    %eq3A_338 = vector.broadcast %eq3A_337 : bf16 to vector<128x256xbf16>
    %eq3A_339 = arith.cmpf oeq, %convert_element_type3A, %eq3A_338 : vector<128x256xbf16>
    %jit3A_340 = arith.constant 0 : i32
    %convert_element_type3A_341 = arith.sitofp %jit3A_340 : i32 to bf16
    %broadcast_in_dim3A_342 = vector.broadcast %convert_element_type3A_341 : bf16 to vector<128x256xbf16>
    %select_n3A_343 = arith.select %eq3A_339, %convert_element_type3A_5, %broadcast_in_dim3A_342 : vector<128x256xi1>, vector<128x256xbf16>
    %convert_element_type3A_344 = arith.extf %select_n3A_343 : vector<128x256xbf16> to vector<128x256xf32>
    %reduce_sum3A_345 = arith.constant dense<0.000000e+00> : vector<128xf32>
    %reduce_sum3A_346 = vector.multi_reduction <add>, %convert_element_type3A_344, %reduce_sum3A_345 [1] : vector<128x256xf32> to vector<128xf32>
    %convert_element_type3A_347 = arith.truncf %reduce_sum3A_346 : vector<128xf32> to vector<128xbf16>
    %convert_element_type3A_348 = arith.extf %convert_element_type3A_347 : vector<128xbf16> to vector<128xf32>
    %broadcast_in_dim3A_349 = vector.shape_cast %convert_element_type3A_348 : vector<128xf32> to vector<128x1xf32>
    %eq3A_350 = arith.constant 16 : i32
    %eq3A_351 = vector.broadcast %eq3A_350 : i32 to vector<128x64xi32>
    %eq3A_352 = arith.cmpi eq, %iota3A, %eq3A_351 : vector<128x64xi32>
    %convert_element_type3A_353 = arith.extui %eq3A_352 : vector<128x64xi1> to vector<128x64xi32>
    %convert_element_type3A_354 = arith.sitofp %convert_element_type3A_353 : vector<128x64xi32> to vector<128x64xf32>
    %mul3A_355 = vector.broadcast %broadcast_in_dim3A_349 : vector<128x1xf32> to vector<128x64xf32>
    %mul3A_356 = arith.mulf %mul3A_355, %convert_element_type3A_354 : vector<128x64xf32>
    %add3A_357 = arith.addf %add3A_336, %mul3A_356 : vector<128x64xf32>
    %eq3A_358 = arith.constant 1.700000e+01 : bf16
    %eq3A_359 = vector.broadcast %eq3A_358 : bf16 to vector<128x256xbf16>
    %eq3A_360 = arith.cmpf oeq, %convert_element_type3A, %eq3A_359 : vector<128x256xbf16>
    %jit3A_361 = arith.constant 0 : i32
    %convert_element_type3A_362 = arith.sitofp %jit3A_361 : i32 to bf16
    %broadcast_in_dim3A_363 = vector.broadcast %convert_element_type3A_362 : bf16 to vector<128x256xbf16>
    %select_n3A_364 = arith.select %eq3A_360, %convert_element_type3A_5, %broadcast_in_dim3A_363 : vector<128x256xi1>, vector<128x256xbf16>
    %convert_element_type3A_365 = arith.extf %select_n3A_364 : vector<128x256xbf16> to vector<128x256xf32>
    %reduce_sum3A_366 = arith.constant dense<0.000000e+00> : vector<128xf32>
    %reduce_sum3A_367 = vector.multi_reduction <add>, %convert_element_type3A_365, %reduce_sum3A_366 [1] : vector<128x256xf32> to vector<128xf32>
    %convert_element_type3A_368 = arith.truncf %reduce_sum3A_367 : vector<128xf32> to vector<128xbf16>
    %convert_element_type3A_369 = arith.extf %convert_element_type3A_368 : vector<128xbf16> to vector<128xf32>
    %broadcast_in_dim3A_370 = vector.shape_cast %convert_element_type3A_369 : vector<128xf32> to vector<128x1xf32>
    %eq3A_371 = arith.constant 17 : i32
    %eq3A_372 = vector.broadcast %eq3A_371 : i32 to vector<128x64xi32>
    %eq3A_373 = arith.cmpi eq, %iota3A, %eq3A_372 : vector<128x64xi32>
    %convert_element_type3A_374 = arith.extui %eq3A_373 : vector<128x64xi1> to vector<128x64xi32>
    %convert_element_type3A_375 = arith.sitofp %convert_element_type3A_374 : vector<128x64xi32> to vector<128x64xf32>
    %mul3A_376 = vector.broadcast %broadcast_in_dim3A_370 : vector<128x1xf32> to vector<128x64xf32>
    %mul3A_377 = arith.mulf %mul3A_376, %convert_element_type3A_375 : vector<128x64xf32>
    %add3A_378 = arith.addf %add3A_357, %mul3A_377 : vector<128x64xf32>
    %eq3A_379 = arith.constant 1.800000e+01 : bf16
    %eq3A_380 = vector.broadcast %eq3A_379 : bf16 to vector<128x256xbf16>
    %eq3A_381 = arith.cmpf oeq, %convert_element_type3A, %eq3A_380 : vector<128x256xbf16>
    %jit3A_382 = arith.constant 0 : i32
    %convert_element_type3A_383 = arith.sitofp %jit3A_382 : i32 to bf16
    %broadcast_in_dim3A_384 = vector.broadcast %convert_element_type3A_383 : bf16 to vector<128x256xbf16>
    %select_n3A_385 = arith.select %eq3A_381, %convert_element_type3A_5, %broadcast_in_dim3A_384 : vector<128x256xi1>, vector<128x256xbf16>
    %convert_element_type3A_386 = arith.extf %select_n3A_385 : vector<128x256xbf16> to vector<128x256xf32>
    %reduce_sum3A_387 = arith.constant dense<0.000000e+00> : vector<128xf32>
    %reduce_sum3A_388 = vector.multi_reduction <add>, %convert_element_type3A_386, %reduce_sum3A_387 [1] : vector<128x256xf32> to vector<128xf32>
    %convert_element_type3A_389 = arith.truncf %reduce_sum3A_388 : vector<128xf32> to vector<128xbf16>
    %convert_element_type3A_390 = arith.extf %convert_element_type3A_389 : vector<128xbf16> to vector<128xf32>
    %broadcast_in_dim3A_391 = vector.shape_cast %convert_element_type3A_390 : vector<128xf32> to vector<128x1xf32>
    %eq3A_392 = arith.constant 18 : i32
    %eq3A_393 = vector.broadcast %eq3A_392 : i32 to vector<128x64xi32>
    %eq3A_394 = arith.cmpi eq, %iota3A, %eq3A_393 : vector<128x64xi32>
    %convert_element_type3A_395 = arith.extui %eq3A_394 : vector<128x64xi1> to vector<128x64xi32>
    %convert_element_type3A_396 = arith.sitofp %convert_element_type3A_395 : vector<128x64xi32> to vector<128x64xf32>
    %mul3A_397 = vector.broadcast %broadcast_in_dim3A_391 : vector<128x1xf32> to vector<128x64xf32>
    %mul3A_398 = arith.mulf %mul3A_397, %convert_element_type3A_396 : vector<128x64xf32>
    %add3A_399 = arith.addf %add3A_378, %mul3A_398 : vector<128x64xf32>
    %eq3A_400 = arith.constant 1.900000e+01 : bf16
    %eq3A_401 = vector.broadcast %eq3A_400 : bf16 to vector<128x256xbf16>
    %eq3A_402 = arith.cmpf oeq, %convert_element_type3A, %eq3A_401 : vector<128x256xbf16>
    %jit3A_403 = arith.constant 0 : i32
    %convert_element_type3A_404 = arith.sitofp %jit3A_403 : i32 to bf16
    %broadcast_in_dim3A_405 = vector.broadcast %convert_element_type3A_404 : bf16 to vector<128x256xbf16>
    %select_n3A_406 = arith.select %eq3A_402, %convert_element_type3A_5, %broadcast_in_dim3A_405 : vector<128x256xi1>, vector<128x256xbf16>
    %convert_element_type3A_407 = arith.extf %select_n3A_406 : vector<128x256xbf16> to vector<128x256xf32>
    %reduce_sum3A_408 = arith.constant dense<0.000000e+00> : vector<128xf32>
    %reduce_sum3A_409 = vector.multi_reduction <add>, %convert_element_type3A_407, %reduce_sum3A_408 [1] : vector<128x256xf32> to vector<128xf32>
    %convert_element_type3A_410 = arith.truncf %reduce_sum3A_409 : vector<128xf32> to vector<128xbf16>
    %convert_element_type3A_411 = arith.extf %convert_element_type3A_410 : vector<128xbf16> to vector<128xf32>
    %broadcast_in_dim3A_412 = vector.shape_cast %convert_element_type3A_411 : vector<128xf32> to vector<128x1xf32>
    %eq3A_413 = arith.constant 19 : i32
    %eq3A_414 = vector.broadcast %eq3A_413 : i32 to vector<128x64xi32>
    %eq3A_415 = arith.cmpi eq, %iota3A, %eq3A_414 : vector<128x64xi32>
    %convert_element_type3A_416 = arith.extui %eq3A_415 : vector<128x64xi1> to vector<128x64xi32>
    %convert_element_type3A_417 = arith.sitofp %convert_element_type3A_416 : vector<128x64xi32> to vector<128x64xf32>
    %mul3A_418 = vector.broadcast %broadcast_in_dim3A_412 : vector<128x1xf32> to vector<128x64xf32>
    %mul3A_419 = arith.mulf %mul3A_418, %convert_element_type3A_417 : vector<128x64xf32>
    %add3A_420 = arith.addf %add3A_399, %mul3A_419 : vector<128x64xf32>
    %eq3A_421 = arith.constant 2.000000e+01 : bf16
    %eq3A_422 = vector.broadcast %eq3A_421 : bf16 to vector<128x256xbf16>
    %eq3A_423 = arith.cmpf oeq, %convert_element_type3A, %eq3A_422 : vector<128x256xbf16>
    %jit3A_424 = arith.constant 0 : i32
    %convert_element_type3A_425 = arith.sitofp %jit3A_424 : i32 to bf16
    %broadcast_in_dim3A_426 = vector.broadcast %convert_element_type3A_425 : bf16 to vector<128x256xbf16>
    %select_n3A_427 = arith.select %eq3A_423, %convert_element_type3A_5, %broadcast_in_dim3A_426 : vector<128x256xi1>, vector<128x256xbf16>
    %convert_element_type3A_428 = arith.extf %select_n3A_427 : vector<128x256xbf16> to vector<128x256xf32>
    %reduce_sum3A_429 = arith.constant dense<0.000000e+00> : vector<128xf32>
    %reduce_sum3A_430 = vector.multi_reduction <add>, %convert_element_type3A_428, %reduce_sum3A_429 [1] : vector<128x256xf32> to vector<128xf32>
    %convert_element_type3A_431 = arith.truncf %reduce_sum3A_430 : vector<128xf32> to vector<128xbf16>
    %convert_element_type3A_432 = arith.extf %convert_element_type3A_431 : vector<128xbf16> to vector<128xf32>
    %broadcast_in_dim3A_433 = vector.shape_cast %convert_element_type3A_432 : vector<128xf32> to vector<128x1xf32>
    %eq3A_434 = arith.constant 20 : i32
    %eq3A_435 = vector.broadcast %eq3A_434 : i32 to vector<128x64xi32>
    %eq3A_436 = arith.cmpi eq, %iota3A, %eq3A_435 : vector<128x64xi32>
    %convert_element_type3A_437 = arith.extui %eq3A_436 : vector<128x64xi1> to vector<128x64xi32>
    %convert_element_type3A_438 = arith.sitofp %convert_element_type3A_437 : vector<128x64xi32> to vector<128x64xf32>
    %mul3A_439 = vector.broadcast %broadcast_in_dim3A_433 : vector<128x1xf32> to vector<128x64xf32>
    %mul3A_440 = arith.mulf %mul3A_439, %convert_element_type3A_438 : vector<128x64xf32>
    %add3A_441 = arith.addf %add3A_420, %mul3A_440 : vector<128x64xf32>
    %eq3A_442 = arith.constant 2.100000e+01 : bf16
    %eq3A_443 = vector.broadcast %eq3A_442 : bf16 to vector<128x256xbf16>
    %eq3A_444 = arith.cmpf oeq, %convert_element_type3A, %eq3A_443 : vector<128x256xbf16>
    %jit3A_445 = arith.constant 0 : i32
    %convert_element_type3A_446 = arith.sitofp %jit3A_445 : i32 to bf16
    %broadcast_in_dim3A_447 = vector.broadcast %convert_element_type3A_446 : bf16 to vector<128x256xbf16>
    %select_n3A_448 = arith.select %eq3A_444, %convert_element_type3A_5, %broadcast_in_dim3A_447 : vector<128x256xi1>, vector<128x256xbf16>
    %convert_element_type3A_449 = arith.extf %select_n3A_448 : vector<128x256xbf16> to vector<128x256xf32>
    %reduce_sum3A_450 = arith.constant dense<0.000000e+00> : vector<128xf32>
    %reduce_sum3A_451 = vector.multi_reduction <add>, %convert_element_type3A_449, %reduce_sum3A_450 [1] : vector<128x256xf32> to vector<128xf32>
    %convert_element_type3A_452 = arith.truncf %reduce_sum3A_451 : vector<128xf32> to vector<128xbf16>
    %convert_element_type3A_453 = arith.extf %convert_element_type3A_452 : vector<128xbf16> to vector<128xf32>
    %broadcast_in_dim3A_454 = vector.shape_cast %convert_element_type3A_453 : vector<128xf32> to vector<128x1xf32>
    %eq3A_455 = arith.constant 21 : i32
    %eq3A_456 = vector.broadcast %eq3A_455 : i32 to vector<128x64xi32>
    %eq3A_457 = arith.cmpi eq, %iota3A, %eq3A_456 : vector<128x64xi32>
    %convert_element_type3A_458 = arith.extui %eq3A_457 : vector<128x64xi1> to vector<128x64xi32>
    %convert_element_type3A_459 = arith.sitofp %convert_element_type3A_458 : vector<128x64xi32> to vector<128x64xf32>
    %mul3A_460 = vector.broadcast %broadcast_in_dim3A_454 : vector<128x1xf32> to vector<128x64xf32>
    %mul3A_461 = arith.mulf %mul3A_460, %convert_element_type3A_459 : vector<128x64xf32>
    %add3A_462 = arith.addf %add3A_441, %mul3A_461 : vector<128x64xf32>
    %eq3A_463 = arith.constant 2.200000e+01 : bf16
    %eq3A_464 = vector.broadcast %eq3A_463 : bf16 to vector<128x256xbf16>
    %eq3A_465 = arith.cmpf oeq, %convert_element_type3A, %eq3A_464 : vector<128x256xbf16>
    %jit3A_466 = arith.constant 0 : i32
    %convert_element_type3A_467 = arith.sitofp %jit3A_466 : i32 to bf16
    %broadcast_in_dim3A_468 = vector.broadcast %convert_element_type3A_467 : bf16 to vector<128x256xbf16>
    %select_n3A_469 = arith.select %eq3A_465, %convert_element_type3A_5, %broadcast_in_dim3A_468 : vector<128x256xi1>, vector<128x256xbf16>
    %convert_element_type3A_470 = arith.extf %select_n3A_469 : vector<128x256xbf16> to vector<128x256xf32>
    %reduce_sum3A_471 = arith.constant dense<0.000000e+00> : vector<128xf32>
    %reduce_sum3A_472 = vector.multi_reduction <add>, %convert_element_type3A_470, %reduce_sum3A_471 [1] : vector<128x256xf32> to vector<128xf32>
    %convert_element_type3A_473 = arith.truncf %reduce_sum3A_472 : vector<128xf32> to vector<128xbf16>
    %convert_element_type3A_474 = arith.extf %convert_element_type3A_473 : vector<128xbf16> to vector<128xf32>
    %broadcast_in_dim3A_475 = vector.shape_cast %convert_element_type3A_474 : vector<128xf32> to vector<128x1xf32>
    %eq3A_476 = arith.constant 22 : i32
    %eq3A_477 = vector.broadcast %eq3A_476 : i32 to vector<128x64xi32>
    %eq3A_478 = arith.cmpi eq, %iota3A, %eq3A_477 : vector<128x64xi32>
    %convert_element_type3A_479 = arith.extui %eq3A_478 : vector<128x64xi1> to vector<128x64xi32>
    %convert_element_type3A_480 = arith.sitofp %convert_element_type3A_479 : vector<128x64xi32> to vector<128x64xf32>
    %mul3A_481 = vector.broadcast %broadcast_in_dim3A_475 : vector<128x1xf32> to vector<128x64xf32>
    %mul3A_482 = arith.mulf %mul3A_481, %convert_element_type3A_480 : vector<128x64xf32>
    %add3A_483 = arith.addf %add3A_462, %mul3A_482 : vector<128x64xf32>
    %eq3A_484 = arith.constant 2.300000e+01 : bf16
    %eq3A_485 = vector.broadcast %eq3A_484 : bf16 to vector<128x256xbf16>
    %eq3A_486 = arith.cmpf oeq, %convert_element_type3A, %eq3A_485 : vector<128x256xbf16>
    %jit3A_487 = arith.constant 0 : i32
    %convert_element_type3A_488 = arith.sitofp %jit3A_487 : i32 to bf16
    %broadcast_in_dim3A_489 = vector.broadcast %convert_element_type3A_488 : bf16 to vector<128x256xbf16>
    %select_n3A_490 = arith.select %eq3A_486, %convert_element_type3A_5, %broadcast_in_dim3A_489 : vector<128x256xi1>, vector<128x256xbf16>
    %convert_element_type3A_491 = arith.extf %select_n3A_490 : vector<128x256xbf16> to vector<128x256xf32>
    %reduce_sum3A_492 = arith.constant dense<0.000000e+00> : vector<128xf32>
    %reduce_sum3A_493 = vector.multi_reduction <add>, %convert_element_type3A_491, %reduce_sum3A_492 [1] : vector<128x256xf32> to vector<128xf32>
    %convert_element_type3A_494 = arith.truncf %reduce_sum3A_493 : vector<128xf32> to vector<128xbf16>
    %convert_element_type3A_495 = arith.extf %convert_element_type3A_494 : vector<128xbf16> to vector<128xf32>
    %broadcast_in_dim3A_496 = vector.shape_cast %convert_element_type3A_495 : vector<128xf32> to vector<128x1xf32>
    %eq3A_497 = arith.constant 23 : i32
    %eq3A_498 = vector.broadcast %eq3A_497 : i32 to vector<128x64xi32>
    %eq3A_499 = arith.cmpi eq, %iota3A, %eq3A_498 : vector<128x64xi32>
    %convert_element_type3A_500 = arith.extui %eq3A_499 : vector<128x64xi1> to vector<128x64xi32>
    %convert_element_type3A_501 = arith.sitofp %convert_element_type3A_500 : vector<128x64xi32> to vector<128x64xf32>
    %mul3A_502 = vector.broadcast %broadcast_in_dim3A_496 : vector<128x1xf32> to vector<128x64xf32>
    %mul3A_503 = arith.mulf %mul3A_502, %convert_element_type3A_501 : vector<128x64xf32>
    %add3A_504 = arith.addf %add3A_483, %mul3A_503 : vector<128x64xf32>
    %eq3A_505 = arith.constant 2.400000e+01 : bf16
    %eq3A_506 = vector.broadcast %eq3A_505 : bf16 to vector<128x256xbf16>
    %eq3A_507 = arith.cmpf oeq, %convert_element_type3A, %eq3A_506 : vector<128x256xbf16>
    %jit3A_508 = arith.constant 0 : i32
    %convert_element_type3A_509 = arith.sitofp %jit3A_508 : i32 to bf16
    %broadcast_in_dim3A_510 = vector.broadcast %convert_element_type3A_509 : bf16 to vector<128x256xbf16>
    %select_n3A_511 = arith.select %eq3A_507, %convert_element_type3A_5, %broadcast_in_dim3A_510 : vector<128x256xi1>, vector<128x256xbf16>
    %convert_element_type3A_512 = arith.extf %select_n3A_511 : vector<128x256xbf16> to vector<128x256xf32>
    %reduce_sum3A_513 = arith.constant dense<0.000000e+00> : vector<128xf32>
    %reduce_sum3A_514 = vector.multi_reduction <add>, %convert_element_type3A_512, %reduce_sum3A_513 [1] : vector<128x256xf32> to vector<128xf32>
    %convert_element_type3A_515 = arith.truncf %reduce_sum3A_514 : vector<128xf32> to vector<128xbf16>
    %convert_element_type3A_516 = arith.extf %convert_element_type3A_515 : vector<128xbf16> to vector<128xf32>
    %broadcast_in_dim3A_517 = vector.shape_cast %convert_element_type3A_516 : vector<128xf32> to vector<128x1xf32>
    %eq3A_518 = arith.constant 24 : i32
    %eq3A_519 = vector.broadcast %eq3A_518 : i32 to vector<128x64xi32>
    %eq3A_520 = arith.cmpi eq, %iota3A, %eq3A_519 : vector<128x64xi32>
    %convert_element_type3A_521 = arith.extui %eq3A_520 : vector<128x64xi1> to vector<128x64xi32>
    %convert_element_type3A_522 = arith.sitofp %convert_element_type3A_521 : vector<128x64xi32> to vector<128x64xf32>
    %mul3A_523 = vector.broadcast %broadcast_in_dim3A_517 : vector<128x1xf32> to vector<128x64xf32>
    %mul3A_524 = arith.mulf %mul3A_523, %convert_element_type3A_522 : vector<128x64xf32>
    %add3A_525 = arith.addf %add3A_504, %mul3A_524 : vector<128x64xf32>
    %eq3A_526 = arith.constant 2.500000e+01 : bf16
    %eq3A_527 = vector.broadcast %eq3A_526 : bf16 to vector<128x256xbf16>
    %eq3A_528 = arith.cmpf oeq, %convert_element_type3A, %eq3A_527 : vector<128x256xbf16>
    %jit3A_529 = arith.constant 0 : i32
    %convert_element_type3A_530 = arith.sitofp %jit3A_529 : i32 to bf16
    %broadcast_in_dim3A_531 = vector.broadcast %convert_element_type3A_530 : bf16 to vector<128x256xbf16>
    %select_n3A_532 = arith.select %eq3A_528, %convert_element_type3A_5, %broadcast_in_dim3A_531 : vector<128x256xi1>, vector<128x256xbf16>
    %convert_element_type3A_533 = arith.extf %select_n3A_532 : vector<128x256xbf16> to vector<128x256xf32>
    %reduce_sum3A_534 = arith.constant dense<0.000000e+00> : vector<128xf32>
    %reduce_sum3A_535 = vector.multi_reduction <add>, %convert_element_type3A_533, %reduce_sum3A_534 [1] : vector<128x256xf32> to vector<128xf32>
    %convert_element_type3A_536 = arith.truncf %reduce_sum3A_535 : vector<128xf32> to vector<128xbf16>
    %convert_element_type3A_537 = arith.extf %convert_element_type3A_536 : vector<128xbf16> to vector<128xf32>
    %broadcast_in_dim3A_538 = vector.shape_cast %convert_element_type3A_537 : vector<128xf32> to vector<128x1xf32>
    %eq3A_539 = arith.constant 25 : i32
    %eq3A_540 = vector.broadcast %eq3A_539 : i32 to vector<128x64xi32>
    %eq3A_541 = arith.cmpi eq, %iota3A, %eq3A_540 : vector<128x64xi32>
    %convert_element_type3A_542 = arith.extui %eq3A_541 : vector<128x64xi1> to vector<128x64xi32>
    %convert_element_type3A_543 = arith.sitofp %convert_element_type3A_542 : vector<128x64xi32> to vector<128x64xf32>
    %mul3A_544 = vector.broadcast %broadcast_in_dim3A_538 : vector<128x1xf32> to vector<128x64xf32>
    %mul3A_545 = arith.mulf %mul3A_544, %convert_element_type3A_543 : vector<128x64xf32>
    %add3A_546 = arith.addf %add3A_525, %mul3A_545 : vector<128x64xf32>
    %eq3A_547 = arith.constant 2.600000e+01 : bf16
    %eq3A_548 = vector.broadcast %eq3A_547 : bf16 to vector<128x256xbf16>
    %eq3A_549 = arith.cmpf oeq, %convert_element_type3A, %eq3A_548 : vector<128x256xbf16>
    %jit3A_550 = arith.constant 0 : i32
    %convert_element_type3A_551 = arith.sitofp %jit3A_550 : i32 to bf16
    %broadcast_in_dim3A_552 = vector.broadcast %convert_element_type3A_551 : bf16 to vector<128x256xbf16>
    %select_n3A_553 = arith.select %eq3A_549, %convert_element_type3A_5, %broadcast_in_dim3A_552 : vector<128x256xi1>, vector<128x256xbf16>
    %convert_element_type3A_554 = arith.extf %select_n3A_553 : vector<128x256xbf16> to vector<128x256xf32>
    %reduce_sum3A_555 = arith.constant dense<0.000000e+00> : vector<128xf32>
    %reduce_sum3A_556 = vector.multi_reduction <add>, %convert_element_type3A_554, %reduce_sum3A_555 [1] : vector<128x256xf32> to vector<128xf32>
    %convert_element_type3A_557 = arith.truncf %reduce_sum3A_556 : vector<128xf32> to vector<128xbf16>
    %convert_element_type3A_558 = arith.extf %convert_element_type3A_557 : vector<128xbf16> to vector<128xf32>
    %broadcast_in_dim3A_559 = vector.shape_cast %convert_element_type3A_558 : vector<128xf32> to vector<128x1xf32>
    %eq3A_560 = arith.constant 26 : i32
    %eq3A_561 = vector.broadcast %eq3A_560 : i32 to vector<128x64xi32>
    %eq3A_562 = arith.cmpi eq, %iota3A, %eq3A_561 : vector<128x64xi32>
    %convert_element_type3A_563 = arith.extui %eq3A_562 : vector<128x64xi1> to vector<128x64xi32>
    %convert_element_type3A_564 = arith.sitofp %convert_element_type3A_563 : vector<128x64xi32> to vector<128x64xf32>
    %mul3A_565 = vector.broadcast %broadcast_in_dim3A_559 : vector<128x1xf32> to vector<128x64xf32>
    %mul3A_566 = arith.mulf %mul3A_565, %convert_element_type3A_564 : vector<128x64xf32>
    %add3A_567 = arith.addf %add3A_546, %mul3A_566 : vector<128x64xf32>
    %eq3A_568 = arith.constant 2.700000e+01 : bf16
    %eq3A_569 = vector.broadcast %eq3A_568 : bf16 to vector<128x256xbf16>
    %eq3A_570 = arith.cmpf oeq, %convert_element_type3A, %eq3A_569 : vector<128x256xbf16>
    %jit3A_571 = arith.constant 0 : i32
    %convert_element_type3A_572 = arith.sitofp %jit3A_571 : i32 to bf16
    %broadcast_in_dim3A_573 = vector.broadcast %convert_element_type3A_572 : bf16 to vector<128x256xbf16>
    %select_n3A_574 = arith.select %eq3A_570, %convert_element_type3A_5, %broadcast_in_dim3A_573 : vector<128x256xi1>, vector<128x256xbf16>
    %convert_element_type3A_575 = arith.extf %select_n3A_574 : vector<128x256xbf16> to vector<128x256xf32>
    %reduce_sum3A_576 = arith.constant dense<0.000000e+00> : vector<128xf32>
    %reduce_sum3A_577 = vector.multi_reduction <add>, %convert_element_type3A_575, %reduce_sum3A_576 [1] : vector<128x256xf32> to vector<128xf32>
    %convert_element_type3A_578 = arith.truncf %reduce_sum3A_577 : vector<128xf32> to vector<128xbf16>
    %convert_element_type3A_579 = arith.extf %convert_element_type3A_578 : vector<128xbf16> to vector<128xf32>
    %broadcast_in_dim3A_580 = vector.shape_cast %convert_element_type3A_579 : vector<128xf32> to vector<128x1xf32>
    %eq3A_581 = arith.constant 27 : i32
    %eq3A_582 = vector.broadcast %eq3A_581 : i32 to vector<128x64xi32>
    %eq3A_583 = arith.cmpi eq, %iota3A, %eq3A_582 : vector<128x64xi32>
    %convert_element_type3A_584 = arith.extui %eq3A_583 : vector<128x64xi1> to vector<128x64xi32>
    %convert_element_type3A_585 = arith.sitofp %convert_element_type3A_584 : vector<128x64xi32> to vector<128x64xf32>
    %mul3A_586 = vector.broadcast %broadcast_in_dim3A_580 : vector<128x1xf32> to vector<128x64xf32>
    %mul3A_587 = arith.mulf %mul3A_586, %convert_element_type3A_585 : vector<128x64xf32>
    %add3A_588 = arith.addf %add3A_567, %mul3A_587 : vector<128x64xf32>
    %eq3A_589 = arith.constant 2.800000e+01 : bf16
    %eq3A_590 = vector.broadcast %eq3A_589 : bf16 to vector<128x256xbf16>
    %eq3A_591 = arith.cmpf oeq, %convert_element_type3A, %eq3A_590 : vector<128x256xbf16>
    %jit3A_592 = arith.constant 0 : i32
    %convert_element_type3A_593 = arith.sitofp %jit3A_592 : i32 to bf16
    %broadcast_in_dim3A_594 = vector.broadcast %convert_element_type3A_593 : bf16 to vector<128x256xbf16>
    %select_n3A_595 = arith.select %eq3A_591, %convert_element_type3A_5, %broadcast_in_dim3A_594 : vector<128x256xi1>, vector<128x256xbf16>
    %convert_element_type3A_596 = arith.extf %select_n3A_595 : vector<128x256xbf16> to vector<128x256xf32>
    %reduce_sum3A_597 = arith.constant dense<0.000000e+00> : vector<128xf32>
    %reduce_sum3A_598 = vector.multi_reduction <add>, %convert_element_type3A_596, %reduce_sum3A_597 [1] : vector<128x256xf32> to vector<128xf32>
    %convert_element_type3A_599 = arith.truncf %reduce_sum3A_598 : vector<128xf32> to vector<128xbf16>
    %convert_element_type3A_600 = arith.extf %convert_element_type3A_599 : vector<128xbf16> to vector<128xf32>
    %broadcast_in_dim3A_601 = vector.shape_cast %convert_element_type3A_600 : vector<128xf32> to vector<128x1xf32>
    %eq3A_602 = arith.constant 28 : i32
    %eq3A_603 = vector.broadcast %eq3A_602 : i32 to vector<128x64xi32>
    %eq3A_604 = arith.cmpi eq, %iota3A, %eq3A_603 : vector<128x64xi32>
    %convert_element_type3A_605 = arith.extui %eq3A_604 : vector<128x64xi1> to vector<128x64xi32>
    %convert_element_type3A_606 = arith.sitofp %convert_element_type3A_605 : vector<128x64xi32> to vector<128x64xf32>
    %mul3A_607 = vector.broadcast %broadcast_in_dim3A_601 : vector<128x1xf32> to vector<128x64xf32>
    %mul3A_608 = arith.mulf %mul3A_607, %convert_element_type3A_606 : vector<128x64xf32>
    %add3A_609 = arith.addf %add3A_588, %mul3A_608 : vector<128x64xf32>
    %eq3A_610 = arith.constant 2.900000e+01 : bf16
    %eq3A_611 = vector.broadcast %eq3A_610 : bf16 to vector<128x256xbf16>
    %eq3A_612 = arith.cmpf oeq, %convert_element_type3A, %eq3A_611 : vector<128x256xbf16>
    %jit3A_613 = arith.constant 0 : i32
    %convert_element_type3A_614 = arith.sitofp %jit3A_613 : i32 to bf16
    %broadcast_in_dim3A_615 = vector.broadcast %convert_element_type3A_614 : bf16 to vector<128x256xbf16>
    %select_n3A_616 = arith.select %eq3A_612, %convert_element_type3A_5, %broadcast_in_dim3A_615 : vector<128x256xi1>, vector<128x256xbf16>
    %convert_element_type3A_617 = arith.extf %select_n3A_616 : vector<128x256xbf16> to vector<128x256xf32>
    %reduce_sum3A_618 = arith.constant dense<0.000000e+00> : vector<128xf32>
    %reduce_sum3A_619 = vector.multi_reduction <add>, %convert_element_type3A_617, %reduce_sum3A_618 [1] : vector<128x256xf32> to vector<128xf32>
    %convert_element_type3A_620 = arith.truncf %reduce_sum3A_619 : vector<128xf32> to vector<128xbf16>
    %convert_element_type3A_621 = arith.extf %convert_element_type3A_620 : vector<128xbf16> to vector<128xf32>
    %broadcast_in_dim3A_622 = vector.shape_cast %convert_element_type3A_621 : vector<128xf32> to vector<128x1xf32>
    %eq3A_623 = arith.constant 29 : i32
    %eq3A_624 = vector.broadcast %eq3A_623 : i32 to vector<128x64xi32>
    %eq3A_625 = arith.cmpi eq, %iota3A, %eq3A_624 : vector<128x64xi32>
    %convert_element_type3A_626 = arith.extui %eq3A_625 : vector<128x64xi1> to vector<128x64xi32>
    %convert_element_type3A_627 = arith.sitofp %convert_element_type3A_626 : vector<128x64xi32> to vector<128x64xf32>
    %mul3A_628 = vector.broadcast %broadcast_in_dim3A_622 : vector<128x1xf32> to vector<128x64xf32>
    %mul3A_629 = arith.mulf %mul3A_628, %convert_element_type3A_627 : vector<128x64xf32>
    %add3A_630 = arith.addf %add3A_609, %mul3A_629 : vector<128x64xf32>
    %eq3A_631 = arith.constant 3.000000e+01 : bf16
    %eq3A_632 = vector.broadcast %eq3A_631 : bf16 to vector<128x256xbf16>
    %eq3A_633 = arith.cmpf oeq, %convert_element_type3A, %eq3A_632 : vector<128x256xbf16>
    %jit3A_634 = arith.constant 0 : i32
    %convert_element_type3A_635 = arith.sitofp %jit3A_634 : i32 to bf16
    %broadcast_in_dim3A_636 = vector.broadcast %convert_element_type3A_635 : bf16 to vector<128x256xbf16>
    %select_n3A_637 = arith.select %eq3A_633, %convert_element_type3A_5, %broadcast_in_dim3A_636 : vector<128x256xi1>, vector<128x256xbf16>
    %convert_element_type3A_638 = arith.extf %select_n3A_637 : vector<128x256xbf16> to vector<128x256xf32>
    %reduce_sum3A_639 = arith.constant dense<0.000000e+00> : vector<128xf32>
    %reduce_sum3A_640 = vector.multi_reduction <add>, %convert_element_type3A_638, %reduce_sum3A_639 [1] : vector<128x256xf32> to vector<128xf32>
    %convert_element_type3A_641 = arith.truncf %reduce_sum3A_640 : vector<128xf32> to vector<128xbf16>
    %convert_element_type3A_642 = arith.extf %convert_element_type3A_641 : vector<128xbf16> to vector<128xf32>
    %broadcast_in_dim3A_643 = vector.shape_cast %convert_element_type3A_642 : vector<128xf32> to vector<128x1xf32>
    %eq3A_644 = arith.constant 30 : i32
    %eq3A_645 = vector.broadcast %eq3A_644 : i32 to vector<128x64xi32>
    %eq3A_646 = arith.cmpi eq, %iota3A, %eq3A_645 : vector<128x64xi32>
    %convert_element_type3A_647 = arith.extui %eq3A_646 : vector<128x64xi1> to vector<128x64xi32>
    %convert_element_type3A_648 = arith.sitofp %convert_element_type3A_647 : vector<128x64xi32> to vector<128x64xf32>
    %mul3A_649 = vector.broadcast %broadcast_in_dim3A_643 : vector<128x1xf32> to vector<128x64xf32>
    %mul3A_650 = arith.mulf %mul3A_649, %convert_element_type3A_648 : vector<128x64xf32>
    %add3A_651 = arith.addf %add3A_630, %mul3A_650 : vector<128x64xf32>
    %eq3A_652 = arith.constant 3.100000e+01 : bf16
    %eq3A_653 = vector.broadcast %eq3A_652 : bf16 to vector<128x256xbf16>
    %eq3A_654 = arith.cmpf oeq, %convert_element_type3A, %eq3A_653 : vector<128x256xbf16>
    %jit3A_655 = arith.constant 0 : i32
    %convert_element_type3A_656 = arith.sitofp %jit3A_655 : i32 to bf16
    %broadcast_in_dim3A_657 = vector.broadcast %convert_element_type3A_656 : bf16 to vector<128x256xbf16>
    %select_n3A_658 = arith.select %eq3A_654, %convert_element_type3A_5, %broadcast_in_dim3A_657 : vector<128x256xi1>, vector<128x256xbf16>
    %convert_element_type3A_659 = arith.extf %select_n3A_658 : vector<128x256xbf16> to vector<128x256xf32>
    %reduce_sum3A_660 = arith.constant dense<0.000000e+00> : vector<128xf32>
    %reduce_sum3A_661 = vector.multi_reduction <add>, %convert_element_type3A_659, %reduce_sum3A_660 [1] : vector<128x256xf32> to vector<128xf32>
    %convert_element_type3A_662 = arith.truncf %reduce_sum3A_661 : vector<128xf32> to vector<128xbf16>
    %convert_element_type3A_663 = arith.extf %convert_element_type3A_662 : vector<128xbf16> to vector<128xf32>
    %broadcast_in_dim3A_664 = vector.shape_cast %convert_element_type3A_663 : vector<128xf32> to vector<128x1xf32>
    %eq3A_665 = arith.constant 31 : i32
    %eq3A_666 = vector.broadcast %eq3A_665 : i32 to vector<128x64xi32>
    %eq3A_667 = arith.cmpi eq, %iota3A, %eq3A_666 : vector<128x64xi32>
    %convert_element_type3A_668 = arith.extui %eq3A_667 : vector<128x64xi1> to vector<128x64xi32>
    %convert_element_type3A_669 = arith.sitofp %convert_element_type3A_668 : vector<128x64xi32> to vector<128x64xf32>
    %mul3A_670 = vector.broadcast %broadcast_in_dim3A_664 : vector<128x1xf32> to vector<128x64xf32>
    %mul3A_671 = arith.mulf %mul3A_670, %convert_element_type3A_669 : vector<128x64xf32>
    %add3A_672 = arith.addf %add3A_651, %mul3A_671 : vector<128x64xf32>
    %eq3A_673 = arith.constant 3.200000e+01 : bf16
    %eq3A_674 = vector.broadcast %eq3A_673 : bf16 to vector<128x256xbf16>
    %eq3A_675 = arith.cmpf oeq, %convert_element_type3A, %eq3A_674 : vector<128x256xbf16>
    %jit3A_676 = arith.constant 0 : i32
    %convert_element_type3A_677 = arith.sitofp %jit3A_676 : i32 to bf16
    %broadcast_in_dim3A_678 = vector.broadcast %convert_element_type3A_677 : bf16 to vector<128x256xbf16>
    %select_n3A_679 = arith.select %eq3A_675, %convert_element_type3A_5, %broadcast_in_dim3A_678 : vector<128x256xi1>, vector<128x256xbf16>
    %convert_element_type3A_680 = arith.extf %select_n3A_679 : vector<128x256xbf16> to vector<128x256xf32>
    %reduce_sum3A_681 = arith.constant dense<0.000000e+00> : vector<128xf32>
    %reduce_sum3A_682 = vector.multi_reduction <add>, %convert_element_type3A_680, %reduce_sum3A_681 [1] : vector<128x256xf32> to vector<128xf32>
    %convert_element_type3A_683 = arith.truncf %reduce_sum3A_682 : vector<128xf32> to vector<128xbf16>
    %convert_element_type3A_684 = arith.extf %convert_element_type3A_683 : vector<128xbf16> to vector<128xf32>
    %broadcast_in_dim3A_685 = vector.shape_cast %convert_element_type3A_684 : vector<128xf32> to vector<128x1xf32>
    %eq3A_686 = arith.constant 32 : i32
    %eq3A_687 = vector.broadcast %eq3A_686 : i32 to vector<128x64xi32>
    %eq3A_688 = arith.cmpi eq, %iota3A, %eq3A_687 : vector<128x64xi32>
    %convert_element_type3A_689 = arith.extui %eq3A_688 : vector<128x64xi1> to vector<128x64xi32>
    %convert_element_type3A_690 = arith.sitofp %convert_element_type3A_689 : vector<128x64xi32> to vector<128x64xf32>
    %mul3A_691 = vector.broadcast %broadcast_in_dim3A_685 : vector<128x1xf32> to vector<128x64xf32>
    %mul3A_692 = arith.mulf %mul3A_691, %convert_element_type3A_690 : vector<128x64xf32>
    %add3A_693 = arith.addf %add3A_672, %mul3A_692 : vector<128x64xf32>
    %convert_element_type3A_694 = arith.extf %convert_element_type3A_5 : vector<128x256xbf16> to vector<128x256xf32>
    %reduce_sum3A_695 = arith.constant dense<0.000000e+00> : vector<128xf32>
    %reduce_sum3A_696 = vector.multi_reduction <add>, %convert_element_type3A_694, %reduce_sum3A_695 [1] : vector<128x256xf32> to vector<128xf32>
    %convert_element_type3A_697 = arith.truncf %reduce_sum3A_696 : vector<128xf32> to vector<128xbf16>
    %convert_element_type3A_698 = arith.extf %convert_element_type3A_697 : vector<128xbf16> to vector<128xf32>
    %jit3A_699 = arith.constant 9.99999971E-10 : f32
    %max3A = vector.broadcast %jit3A_699 : f32 to vector<128xf32>
    %max3A_700 = arith.maximumf %max3A, %convert_element_type3A_698 : vector<128xf32>
    %get3A_701 = arith.constant 0 : index
    %get3A_702 = arith.constant 0 : index
    %get3A_703 = vector.load %arg3[%get3A_701, %get3A_702] : memref<64x320xf32, #tpu.memory_space<vmem>>, vector<64x320xf32>
    %dot_general3A = arith.constant dense<0.000000e+00> : vector<128x320xf32>
    %dot_general3A_704 = tpu.matmul %add3A_693, %get3A_703, %dot_general3A {dimension_numbers = #tpu.dot_dimension_numbers<[1], [0], [0], [1], [0, 0, 1, 1], [], []>, precision = #tpu.contract_precision<fp32>, transpose_lhs_hint = false} : vector<128x64xf32>, vector<64x320xf32>, vector<128x320xf32> -> vector<128x320xf32>
    %broadcast_in_dim3A_705 = vector.shape_cast %max3A_700 : vector<128xf32> to vector<128x1xf32>
    %div3A = vector.broadcast %broadcast_in_dim3A_705 : vector<128x1xf32> to vector<128x320xf32>
    %div3A_706 = arith.divf %dot_general3A_704, %div3A : vector<128x320xf32>
    %swap3A = arith.constant 0 : index
    %swap3A_707 = arith.constant 0 : index
    %swap3A_708 = vector.load %arg8[%swap3A, %swap3A_707] : memref<128x320xf32, #tpu.memory_space<vmem>>, vector<128x320xf32>
    tpu.vector_store %arg8[%swap3A, %swap3A_707], %div3A_706 {strides = array<i32>} : memref<128x320xf32, #tpu.memory_space<vmem>>, vector<128x320xf32>,
    %get3A_709 = arith.constant 0 : index
    %get3A_710 = arith.constant 0 : index
    %get3A_711 = vector.load %arg4[%get3A_709, %get3A_710] : memref<320x1024xf32, #tpu.memory_space<vmem>>, vector<320x1024xf32>
    %dot_general3A_712 = arith.constant dense<0.000000e+00> : vector<128x1024xf32>
    %dot_general3A_713 = tpu.matmul %div3A_706, %get3A_711, %dot_general3A_712 {dimension_numbers = #tpu.dot_dimension_numbers<[1], [0], [0], [1], [0, 0, 1, 1], [], []>, transpose_lhs_hint = false} : vector<128x320xf32>, vector<320x1024xf32>, vector<128x1024xf32> -> vector<128x1024xf32>
    %get3A_714 = arith.constant 0 : index
    %get3A_715 = arith.constant 0 : index
    %get3A_716 = vector.load %arg5[%get3A_714, %get3A_715] : memref<1x1024xf32, #tpu.memory_space<vmem>>, vector<1x1024xf32>
    %get3A_717 = vector.shape_cast %get3A_716 : vector<1x1024xf32> to vector<1024xf32>
    %broadcast_in_dim3A_718 = vector.shape_cast %get3A_717 : vector<1024xf32> to vector<1x1024xf32>
    %add3A_719 = vector.broadcast %broadcast_in_dim3A_718 : vector<1x1024xf32> to vector<128x1024xf32>
    %add3A_720 = arith.addf %dot_general3A_713, %add3A_719 : vector<128x1024xf32>
    %max3A_721 = arith.constant 0.000000e+00 : f32
    %max3A_722 = vector.broadcast %max3A_721 : f32 to vector<128x1024xf32>
    %max3A_723 = arith.maximumf %add3A_720, %max3A_722 : vector<128x1024xf32>
    %get3A_724 = arith.constant 0 : index
    %get3A_725 = arith.constant 0 : index
    %get3A_726 = vector.load %arg6[%get3A_724, %get3A_725] : memref<1024x8xf32, #tpu.memory_space<vmem>>, vector<1024x8xf32>
    %dot_general3A_727 = arith.constant dense<0.000000e+00> : vector<128x8xf32>
    %dot_general3A_728 = tpu.matmul %max3A_723, %get3A_726, %dot_general3A_727 {dimension_numbers = #tpu.dot_dimension_numbers<[1], [0], [0], [1], [0, 0, 1, 1], [], []>, transpose_lhs_hint = false} : vector<128x1024xf32>, vector<1024x8xf32>, vector<128x8xf32> -> vector<128x8xf32>
    %get3A_729 = arith.constant 0 : index
    %get3A_730 = arith.constant 0 : index
    %get3A_731 = vector.load %arg7[%get3A_729, %get3A_730] : memref<1x8xf32, #tpu.memory_space<vmem>>, vector<1x8xf32>
    %get3A_732 = vector.shape_cast %get3A_731 : vector<1x8xf32> to vector<8xf32>
    %broadcast_in_dim3A_733 = vector.shape_cast %get3A_732 : vector<8xf32> to vector<1x8xf32>
    %add3A_734 = vector.broadcast %broadcast_in_dim3A_733 : vector<1x8xf32> to vector<128x8xf32>
    %add3A_735 = arith.addf %dot_general3A_728, %add3A_734 : vector<128x8xf32>
    %swap3A_736 = arith.constant 0 : index
    %swap3A_737 = arith.constant 0 : index
    %swap3A_738 = vector.load %arg9[%swap3A_736, %swap3A_737] : memref<128x8xf32, #tpu.memory_space<vmem>>, vector<128x8xf32>
    tpu.vector_store %arg9[%swap3A_736, %swap3A_737], %add3A_735 {strides = array<i32>} : memref<128x8xf32, #tpu.memory_space<vmem>>, vector<128x8xf32>,
    return
  }
  func.func @transform_0(%arg0: i32) -> (i32, i32) {
    %c0_i32 = arith.constant 0 : i32
    %c0_i32_0 = arith.constant 0 : i32
    return %arg0, %c0_i32 : i32, i32
  }
  func.func @transform_1(%arg0: i32) -> (i32, i32) {
    %c0_i32 = arith.constant 0 : i32
    %c0_i32_0 = arith.constant 0 : i32
    return %arg0, %c0_i32 : i32, i32
  }
  func.func @transform_2(%arg0: i32) -> (i32, i32) {
    %c0_i32 = arith.constant 0 : i32
    %c0_i32_0 = arith.constant 0 : i32
    %c0_i32_1 = arith.constant 0 : i32
    return %c0_i32, %c0_i32_0 : i32, i32
  }
  func.func @transform_3(%arg0: i32) -> (i32, i32) {
    %c0_i32 = arith.constant 0 : i32
    %c0_i32_0 = arith.constant 0 : i32
    %c0_i32_1 = arith.constant 0 : i32
    return %c0_i32, %c0_i32_0 : i32, i32
  }
  func.func @transform_4(%arg0: i32) -> (i32, i32) {
    %c0_i32 = arith.constant 0 : i32
    %c0_i32_0 = arith.constant 0 : i32
    %c0_i32_1 = arith.constant 0 : i32
    return %c0_i32, %c0_i32_0 : i32, i32
  }
  func.func @transform_5(%arg0: i32) -> (i32, i32) {
    %c0_i32 = arith.constant 0 : i32
    %c0_i32_0 = arith.constant 0 : i32
    %c0_i32_1 = arith.constant 0 : i32
    return %c0_i32, %c0_i32_0 : i32, i32
  }
  func.func @transform_6(%arg0: i32) -> (i32, i32) {
    %c0_i32 = arith.constant 0 : i32
    %c0_i32_0 = arith.constant 0 : i32
    %c0_i32_1 = arith.constant 0 : i32
    return %c0_i32, %c0_i32_0 : i32, i32
  }
  func.func @transform_7(%arg0: i32) -> (i32, i32) {
    %c0_i32 = arith.constant 0 : i32
    %c0_i32_0 = arith.constant 0 : i32
    return %arg0, %c0_i32 : i32, i32
  }
  func.func @transform_8(%arg0: i32) -> (i32, i32) {
    %c0_i32 = arith.constant 0 : i32
    %c0_i32_0 = arith.constant 0 : i32
    return %arg0, %c0_i32 : i32, i32
  }
}

module attributes {stable_mosaic.version = 14 : i64} {
  func.func @_accept_kernel(%arg0: memref<1024x8xf32, #tpu.memory_space<vmem>>, %arg1: memref<8x1024xf32, #tpu.memory_space<vmem>>, %arg2: memref<1x1024xf32, #tpu.memory_space<vmem>>) attributes {dimension_semantics = [], scalar_prefetch = 0 : i64, scratch_operands = 0 : i64, tpu.core_type = #tpu.core_type<tc>} {
    %get3A = arith.constant 0 : index
    %get3A_0 = arith.constant 0 : index
    %get3A_1 = vector.load %arg1[%get3A, %get3A_0] : memref<8x1024xf32, #tpu.memory_space<vmem>>, vector<1x1024xf32>
    %get3A_2 = arith.constant 1 : index
    %get3A_3 = arith.constant 0 : index
    %get3A_4 = vector.load %arg1[%get3A_2, %get3A_3] : memref<8x1024xf32, #tpu.memory_space<vmem>>, vector<1x1024xf32>
    %get3A_5 = arith.constant 2 : index
    %get3A_6 = arith.constant 0 : index
    %get3A_7 = vector.load %arg1[%get3A_5, %get3A_6] : memref<8x1024xf32, #tpu.memory_space<vmem>>, vector<1x1024xf32>
    %get3A_8 = arith.constant 3 : index
    %get3A_9 = arith.constant 0 : index
    %get3A_10 = vector.load %arg1[%get3A_8, %get3A_9] : memref<8x1024xf32, #tpu.memory_space<vmem>>, vector<1x1024xf32>
    %iota3A = tpu.iota {dimensions = array<i32: 1>} : vector<1x1024xi32>
    %broadcast_in_dim3A = arith.constant 1.000000e+00 : f32
    %broadcast_in_dim3A_11 = vector.broadcast %broadcast_in_dim3A : f32 to vector<1x256xf32>
    %broadcast_in_dim3A_12 = arith.constant 0.000000e+00 : f32
    %broadcast_in_dim3A_13 = vector.broadcast %broadcast_in_dim3A_12 : f32 to vector<1x1024xf32>
    %scan3A = arith.constant 0 : i32
    %scan3A_14 = arith.constant 4 : i32
    %scan3A_15 = arith.addi %scan3A, %scan3A_14 : i32
    %scan3A_16 = arith.constant 1 : i32
    %scan3A_17:2 = scf.for %scan3A_46 = %scan3A to %scan3A_15 step %scan3A_16 iter_args(%scan3A_47 = %broadcast_in_dim3A_13, %scan3A_48 = %broadcast_in_dim3A_13) -> (vector<1x1024xf32>, vector<1x1024xf32>)  : i32 {
      %mul3A_49 = arith.constant 256 : i32
      %mul3A_50 = arith.muli %scan3A_46, %mul3A_49 : i32
      %get3A_51 = arith.index_cast %mul3A_50 : i32 to index
      %get3A_52 = arith.constant 0 : index
      %get3A_53 = vector.load %arg0[%get3A_51, %get3A_52] : memref<1024x8xf32, #tpu.memory_space<vmem>>, vector<256x1xf32>
      %get3A_54 = arith.index_cast %mul3A_50 : i32 to index
      %get3A_55 = arith.constant 1 : index
      %get3A_56 = vector.load %arg0[%get3A_54, %get3A_55] : memref<1024x8xf32, #tpu.memory_space<vmem>>, vector<256x1xf32>
      %get3A_57 = arith.index_cast %mul3A_50 : i32 to index
      %get3A_58 = arith.constant 2 : index
      %get3A_59 = vector.load %arg0[%get3A_57, %get3A_58] : memref<1024x8xf32, #tpu.memory_space<vmem>>, vector<256x1xf32>
      %get3A_60 = arith.index_cast %mul3A_50 : i32 to index
      %get3A_61 = arith.constant 3 : index
      %get3A_62 = vector.load %arg0[%get3A_60, %get3A_61] : memref<1024x8xf32, #tpu.memory_space<vmem>>, vector<256x1xf32>
      %iota3A_63 = tpu.iota {dimensions = array<i32: 0>} : vector<256x1xi32>
      %add3A_64 = vector.broadcast %mul3A_50 : i32 to vector<256x1xi32>
      %add3A_65 = arith.addi %iota3A_63, %add3A_64 : vector<256x1xi32>
      %lt3A_66 = vector.broadcast %add3A_65 : vector<256x1xi32> to vector<256x1024xi32>
      %lt3A_67 = vector.broadcast %iota3A : vector<1x1024xi32> to vector<256x1024xi32>
      %lt3A_68 = arith.cmpi slt, %lt3A_66, %lt3A_67 : vector<256x1024xi32>
      %le3A = vector.broadcast %add3A_65 : vector<256x1xi32> to vector<256x1024xi32>
      %le3A_69 = vector.broadcast %iota3A : vector<1x1024xi32> to vector<256x1024xi32>
      %le3A_70 = arith.cmpi sle, %le3A, %le3A_69 : vector<256x1024xi32>
      %eq3A = vector.broadcast %get3A_59 : vector<256x1xf32> to vector<256x1024xf32>
      %eq3A_71 = vector.broadcast %get3A_7 : vector<1x1024xf32> to vector<256x1024xf32>
      %eq3A_72 = arith.cmpf oeq, %eq3A, %eq3A_71 : vector<256x1024xf32>
      %gt3A = vector.broadcast %get3A_53 : vector<256x1xf32> to vector<256x1024xf32>
      %gt3A_73 = vector.broadcast %get3A_1 : vector<1x1024xf32> to vector<256x1024xf32>
      %gt3A_74 = arith.cmpf ogt, %gt3A, %gt3A_73 : vector<256x1024xf32>
      %eq3A_75 = vector.broadcast %get3A_53 : vector<256x1xf32> to vector<256x1024xf32>
      %eq3A_76 = vector.broadcast %get3A_1 : vector<1x1024xf32> to vector<256x1024xf32>
      %eq3A_77 = arith.cmpf oeq, %eq3A_75, %eq3A_76 : vector<256x1024xf32>
      %and3A = arith.andi %eq3A_77, %lt3A_68 : vector<256x1024xi1>
      %or3A = arith.ori %gt3A_74, %and3A : vector<256x1024xi1>
      %and3A_78 = arith.andi %eq3A_72, %or3A : vector<256x1024xi1>
      %eq3A_79 = vector.broadcast %get3A_62 : vector<256x1xf32> to vector<256x1024xf32>
      %eq3A_80 = vector.broadcast %get3A_7 : vector<1x1024xf32> to vector<256x1024xf32>
      %eq3A_81 = arith.cmpf oeq, %eq3A_79, %eq3A_80 : vector<256x1024xf32>
      %gt3A_82 = vector.broadcast %get3A_56 : vector<256x1xf32> to vector<256x1024xf32>
      %gt3A_83 = vector.broadcast %get3A_1 : vector<1x1024xf32> to vector<256x1024xf32>
      %gt3A_84 = arith.cmpf ogt, %gt3A_82, %gt3A_83 : vector<256x1024xf32>
      %eq3A_85 = vector.broadcast %get3A_56 : vector<256x1xf32> to vector<256x1024xf32>
      %eq3A_86 = vector.broadcast %get3A_1 : vector<1x1024xf32> to vector<256x1024xf32>
      %eq3A_87 = arith.cmpf oeq, %eq3A_85, %eq3A_86 : vector<256x1024xf32>
      %and3A_88 = arith.andi %eq3A_87, %lt3A_68 : vector<256x1024xi1>
      %or3A_89 = arith.ori %gt3A_84, %and3A_88 : vector<256x1024xi1>
      %and3A_90 = arith.andi %eq3A_81, %or3A_89 : vector<256x1024xi1>
      %eq3A_91 = vector.broadcast %get3A_59 : vector<256x1xf32> to vector<256x1024xf32>
      %eq3A_92 = vector.broadcast %get3A_10 : vector<1x1024xf32> to vector<256x1024xf32>
      %eq3A_93 = arith.cmpf oeq, %eq3A_91, %eq3A_92 : vector<256x1024xf32>
      %gt3A_94 = vector.broadcast %get3A_53 : vector<256x1xf32> to vector<256x1024xf32>
      %gt3A_95 = vector.broadcast %get3A_4 : vector<1x1024xf32> to vector<256x1024xf32>
      %gt3A_96 = arith.cmpf ogt, %gt3A_94, %gt3A_95 : vector<256x1024xf32>
      %eq3A_97 = vector.broadcast %get3A_53 : vector<256x1xf32> to vector<256x1024xf32>
      %eq3A_98 = vector.broadcast %get3A_4 : vector<1x1024xf32> to vector<256x1024xf32>
      %eq3A_99 = arith.cmpf oeq, %eq3A_97, %eq3A_98 : vector<256x1024xf32>
      %and3A_100 = arith.andi %eq3A_99, %le3A_70 : vector<256x1024xi1>
      %or3A_101 = arith.ori %gt3A_96, %and3A_100 : vector<256x1024xi1>
      %and3A_102 = arith.andi %eq3A_93, %or3A_101 : vector<256x1024xi1>
      %eq3A_103 = vector.broadcast %get3A_62 : vector<256x1xf32> to vector<256x1024xf32>
      %eq3A_104 = vector.broadcast %get3A_10 : vector<1x1024xf32> to vector<256x1024xf32>
      %eq3A_105 = arith.cmpf oeq, %eq3A_103, %eq3A_104 : vector<256x1024xf32>
      %gt3A_106 = vector.broadcast %get3A_56 : vector<256x1xf32> to vector<256x1024xf32>
      %gt3A_107 = vector.broadcast %get3A_4 : vector<1x1024xf32> to vector<256x1024xf32>
      %gt3A_108 = arith.cmpf ogt, %gt3A_106, %gt3A_107 : vector<256x1024xf32>
      %eq3A_109 = vector.broadcast %get3A_56 : vector<256x1xf32> to vector<256x1024xf32>
      %eq3A_110 = vector.broadcast %get3A_4 : vector<1x1024xf32> to vector<256x1024xf32>
      %eq3A_111 = arith.cmpf oeq, %eq3A_109, %eq3A_110 : vector<256x1024xf32>
      %and3A_112 = arith.andi %eq3A_111, %lt3A_68 : vector<256x1024xi1>
      %or3A_113 = arith.ori %gt3A_108, %and3A_112 : vector<256x1024xi1>
      %and3A_114 = arith.andi %eq3A_105, %or3A_113 : vector<256x1024xi1>
      %jit3A_115 = arith.constant 1.000000e+00 : f32
      %jit3A_116 = arith.constant 0.000000e+00 : f32
      %broadcast_in_dim3A_117 = vector.broadcast %jit3A_115 : f32 to vector<256x1024xf32>
      %broadcast_in_dim3A_118 = vector.broadcast %jit3A_116 : f32 to vector<256x1024xf32>
      %select_n3A = arith.select %and3A_78, %broadcast_in_dim3A_117, %broadcast_in_dim3A_118 : vector<256x1024xi1>, vector<256x1024xf32>
      %jit3A_119 = arith.constant 1.000000e+00 : f32
      %jit3A_120 = arith.constant 0.000000e+00 : f32
      %broadcast_in_dim3A_121 = vector.broadcast %jit3A_119 : f32 to vector<256x1024xf32>
      %broadcast_in_dim3A_122 = vector.broadcast %jit3A_120 : f32 to vector<256x1024xf32>
      %select_n3A_123 = arith.select %and3A_90, %broadcast_in_dim3A_121, %broadcast_in_dim3A_122 : vector<256x1024xi1>, vector<256x1024xf32>
      %add3A_124 = arith.addf %select_n3A, %select_n3A_123 : vector<256x1024xf32>
      %jit3A_125 = arith.constant 1.000000e+00 : f32
      %jit3A_126 = arith.constant 0.000000e+00 : f32
      %broadcast_in_dim3A_127 = vector.broadcast %jit3A_125 : f32 to vector<256x1024xf32>
      %broadcast_in_dim3A_128 = vector.broadcast %jit3A_126 : f32 to vector<256x1024xf32>
      %select_n3A_129 = arith.select %and3A_102, %broadcast_in_dim3A_127, %broadcast_in_dim3A_128 : vector<256x1024xi1>, vector<256x1024xf32>
      %jit3A_130 = arith.constant 1.000000e+00 : f32
      %jit3A_131 = arith.constant 0.000000e+00 : f32
      %broadcast_in_dim3A_132 = vector.broadcast %jit3A_130 : f32 to vector<256x1024xf32>
      %broadcast_in_dim3A_133 = vector.broadcast %jit3A_131 : f32 to vector<256x1024xf32>
      %select_n3A_134 = arith.select %and3A_114, %broadcast_in_dim3A_132, %broadcast_in_dim3A_133 : vector<256x1024xi1>, vector<256x1024xf32>
      %add3A_135 = arith.addf %select_n3A_129, %select_n3A_134 : vector<256x1024xf32>
      %dot_general3A = arith.constant dense<0.000000e+00> : vector<1x1024xf32>
      %dot_general3A_136 = tpu.matmul %broadcast_in_dim3A_11, %add3A_124, %dot_general3A {dimension_numbers = #tpu.dot_dimension_numbers<[1], [0], [0], [1], [0, 0, 1, 1], [], []>, transpose_lhs_hint = false} : vector<1x256xf32>, vector<256x1024xf32>, vector<1x1024xf32> -> vector<1x1024xf32>
      %add3A_137 = arith.addf %scan3A_47, %dot_general3A_136 : vector<1x1024xf32>
      %dot_general3A_138 = arith.constant dense<0.000000e+00> : vector<1x1024xf32>
      %dot_general3A_139 = tpu.matmul %broadcast_in_dim3A_11, %add3A_135, %dot_general3A_138 {dimension_numbers = #tpu.dot_dimension_numbers<[1], [0], [0], [1], [0, 0, 1, 1], [], []>, transpose_lhs_hint = false} : vector<1x256xf32>, vector<256x1024xf32>, vector<1x1024xf32> -> vector<1x1024xf32>
      %add3A_140 = arith.addf %scan3A_48, %dot_general3A_139 : vector<1x1024xf32>
      scf.yield %add3A_137, %add3A_140 : vector<1x1024xf32>, vector<1x1024xf32>
    }
    %scan3A_18 = arith.constant 4 : i32
    %lt3A = arith.constant 3.200000e+02 : f32
    %lt3A_19 = vector.broadcast %lt3A : f32 to vector<1x1024xf32>
    %lt3A_20 = arith.cmpf olt, %scan3A_17#0, %lt3A_19 : vector<1x1024xf32>
    %convert_element_type3A = arith.extui %lt3A_20 : vector<1x1024xi1> to vector<1x1024xi32>
    %convert_element_type3A_21 = arith.sitofp %convert_element_type3A : vector<1x1024xi32> to vector<1x1024xf32>
    %lt3A_22 = arith.constant 3.200000e+02 : f32
    %lt3A_23 = vector.broadcast %lt3A_22 : f32 to vector<1x1024xf32>
    %lt3A_24 = arith.cmpf olt, %scan3A_17#1, %lt3A_23 : vector<1x1024xf32>
    %convert_element_type3A_25 = arith.extui %lt3A_24 : vector<1x1024xi1> to vector<1x1024xi32>
    %convert_element_type3A_26 = arith.sitofp %convert_element_type3A_25 : vector<1x1024xi32> to vector<1x1024xf32>
    %get3A_27 = arith.constant 4 : index
    %get3A_28 = arith.constant 0 : index
    %get3A_29 = vector.load %arg1[%get3A_27, %get3A_28] : memref<8x1024xf32, #tpu.memory_space<vmem>>, vector<1x1024xf32>
    %mul3A = arith.mulf %get3A_29, %convert_element_type3A_21 : vector<1x1024xf32>
    %get3A_30 = arith.constant 5 : index
    %get3A_31 = arith.constant 0 : index
    %get3A_32 = vector.load %arg1[%get3A_30, %get3A_31] : memref<8x1024xf32, #tpu.memory_space<vmem>>, vector<1x1024xf32>
    %mul3A_33 = arith.mulf %get3A_32, %convert_element_type3A_26 : vector<1x1024xf32>
    %add3A = arith.addf %mul3A, %mul3A_33 : vector<1x1024xf32>
    %jit3A = arith.constant 9.99999971E-10 : f32
    %max3A = vector.broadcast %jit3A : f32 to vector<1x1024xf32>
    %max3A_34 = arith.maximumf %max3A, %add3A : vector<1x1024xf32>
    %get3A_35 = arith.constant 6 : index
    %get3A_36 = arith.constant 0 : index
    %get3A_37 = vector.load %arg1[%get3A_35, %get3A_36] : memref<8x1024xf32, #tpu.memory_space<vmem>>, vector<1x1024xf32>
    %mul3A_38 = arith.mulf %mul3A, %get3A_37 : vector<1x1024xf32>
    %get3A_39 = arith.constant 7 : index
    %get3A_40 = arith.constant 0 : index
    %get3A_41 = vector.load %arg1[%get3A_39, %get3A_40] : memref<8x1024xf32, #tpu.memory_space<vmem>>, vector<1x1024xf32>
    %mul3A_42 = arith.mulf %mul3A_33, %get3A_41 : vector<1x1024xf32>
    %add3A_43 = arith.addf %mul3A_38, %mul3A_42 : vector<1x1024xf32>
    %div3A = arith.divf %add3A_43, %max3A_34 : vector<1x1024xf32>
    %swap3A = arith.constant 0 : index
    %swap3A_44 = arith.constant 0 : index
    %swap3A_45 = vector.load %arg2[%swap3A, %swap3A_44] : memref<1x1024xf32, #tpu.memory_space<vmem>>, vector<1x1024xf32>
    tpu.vector_store %arg2[%swap3A, %swap3A_44], %div3A {strides = array<i32>} : memref<1x1024xf32, #tpu.memory_space<vmem>>, vector<1x1024xf32>,
    return
  }
}

</mosaic_0001>

<sc_bundles>
// kernel: gather_offload_async_start
scs
__scs_entry_jumppad:
0x0: {  	(pc) =	sbr.rel $0x88, $3  }
0x1: {  	(tag) =	ssettag $0x0;
	lr =	simm.s32 $0x1  }
0x2: {  	[smem:$0x3F98] =	sst lr;
	_ =	strace $0xD0000000  }
0x3: {  	_ = 	snop  }
0x4: {  	_ = 	snop  }
0x5: {  	_ = 	snop  }
0x6: {  	_ = 	snop  }
0x7: {  	_ = 	snop  }
__scs_overlays_trampoline_lowered:
0x8: {  	[smem:$0x3FA7] =	sst s0  }
0x9: {  	[smem:$0x3FA8] =	sst s1  }
0xa: {  	[smem:$0x3FA9] =	sst s2  }
0xb: {  	[smem:$0x3FAA] =	sst s3  }
0xc: {  	[smem:$0x3FAB] =	sst s4  }
0xd: {  	[smem:$0x3FAC] =	sst s5  }
0xe: {  	[smem:$0x3FAD] =	sst s6  }
0xf: {  	[smem:$0x3FAE] =	sst s7  }
0x10: {  	[smem:$0x3FAF] =	sst s8  }
0x11: {  	[smem:$0x3FB0] =	sst s9;
	s0 =	simm.s32 @!p0 $0x0  }
0x12: {  	s1 =	sld [smem:$0x3F96];
	s0 =	simm.s32 @p0 $0x1  }
0x13: {  	[smem:$0x3FB1] =	sst s0;
	s0 =	simm.s32 @!p1 $0x0  }
0x14: {  	s2 =	sld [smem:$0x3F95];
	s0 =	simm.s32 @p1 $0x1  }
0x15: {  	[smem:$0x3FB2] =	sst s0;
	s0 =	simm.s32 @!p2 $0x0  }
0x16: {  	s3 =	sld [smem:$0x3FDB];
	s0 =	simm.s32 @p2 $0x1  }
0x17: {  	s4 =	simm.s32 $0x1BF5;
	[smem:$0x3FB4] =	sst s0  }
0x18: {  	s0 =	sld [smem:$0x3F97];
	_ =	swait.ge [sflag:s4], $0x0  }
0x19: {  	s7 =	sld [smem:$0x3F98]  }
0x1a: {  	s8 =	sadd.s32 $0xFFFFE003, lr  }
0x1b: {  	s9 =	sadd.s32 $0xFFFFFEF7, lr;
	s5 =	simm.s32 $0xFFFFFFFF;
	p2 =	slt.u32 s8, $0xFFFFF086  }
0x1c: {  	p1 =	slt.u32 s9, $0xF7A;
	s5 =	simm.s32 @!p2 $0x0  }
0x1d: {  	s5 =	simm.s32 @p1 $0x1;
	p0 =	seq.s32 s7, s2  }
0x1e: {  	s7 =	smul.u32 @!p0 $0xF7A, s2;
	p2 =	seq.s32 @!p0 s5, $0x0  }
0x1f: {  	s9 =	smul.u32 $0xF7A, s1;
	s8 =	simm.s32 @!p0 $0x1BF5;
	p2 =	por !p2, p0  }
0x20: {  	[sflag:s8] =	ssyncset.s32 @!p0 $0xFFFFF086;
	s6 =	sadd.s32 @!p0 s3, s7;
	s7 =	simm.s32 @!p0 $0x108  }
0x21: {  	s3 =	sadd.s32 s3, s9;
	s6 =	sadd.s32 @!p0 $0x88, s6;
	s7 =	simm.s32 @p2 $0x1082  }
0x22: {  	[simem:s7], [sflag:s8] =	dma.local @!p0 [hbm:s6], $0xF7A  }
0x23: {  	s9 =	sor.u32 $0xD0000000, s2;
	s6 =	simm.s32 $0x108;
	_ =	swait.ge @!p0 [sflag:s8], $0x0  }
0x24: {  	s3 =	sadd.s32 $0x88, s3;
	s6 =	simm.s32 @!p1 $0x1082;
	[sflag:s4] =	ssyncset.s32 $0xFFFFF086  }
0x25: {  	[simem:s6], [sflag:s4] =	dma.local [hbm:s3], $0xF7A  }
0x26: {  	[smem:$0x3F98] =	sst s1;
	(tag) =	ssettag s2;
	_ =	strace s9  }
0x27: {  	s1 =	sld [smem:$0x3FA8]  }
0x28: {  	s2 =	sld [smem:$0x3FA9]  }
0x29: {  	s4 =	sld [smem:$0x3FAB]  }
0x2a: {  	p0 =	seq.s32 s5, $0x0;
	s5 =	sld [smem:$0x3FAC]  }
0x2b: {  	s6 =	sld [smem:$0x3FAD]  }
0x2c: {  	s7 =	sld [smem:$0x3FAE]  }
0x2d: {  	s3 =	simm.s32 $0x108;
	s8 =	sld [smem:$0x3FAF]  }
0x2e: {  	s3 =	simm.s32 @!p0 $0x1082;
	s9 =	sld [smem:$0x3FB0]  }
0x2f: {  	lr =	sadd.s32 s0, s3;
	s0 =	sld [smem:$0x3FA7]  }
0x30: {  	s3 =	sld [smem:$0x3FAA]  }
0x31: {  	[smem:$0x3FB3] =	sst s10  }
0x32: {  	s10 =	sld [smem:$0x3FB1];
	_ =	sdelay $0x3  }
0x33: {  	p0 =	seq.s32 s10, $0x1;
	s10 =	sld [smem:$0x3FB3];
	_ =	sdelay $0x3  }
0x34: {  	[smem:$0x3FB3] =	sst s10  }
0x35: {  	s10 =	sld [smem:$0x3FB2];
	_ =	sdelay $0x3  }
0x36: {  	p1 =	seq.s32 s10, $0x1;
	s10 =	sld [smem:$0x3FB3];
	_ =	sdelay $0x3  }
0x37: {  	[smem:$0x3FB3] =	sst s10  }
0x38: {  	s10 =	sld [smem:$0x3FB4]  }
0x39: {  	_ = 	snop;
	(pc) =	sbr.ind lr, $3  }
0x3a: {  	_ = 	snop  }
0x3b: {  	_ = 	snop  }
0x3c: {  	p2 =	seq.s32 s10, $0x1;
	s10 =	sld [smem:$0x3FB3]  }
0x3d: {  	_ =	shalt  }
0x3e: {  	_ =	shalt  }
0x3f: {  	_ =	shalt  }
0x40: {  	_ =	shalt  }
0x41: {  	_ =	shalt  }
0x42: {  	_ =	shalt  }
0x43: {  	_ =	shalt  }
0x44: {  	_ =	shalt  }
0x45: {  	_ =	shalt  }
0x46: {  	_ =	shalt  }
0x47: {  	_ =	shalt  }
0x48: {  	_ =	shalt  }
0x49: {  	_ =	shalt  }
0x4a: {  	_ =	shalt  }
0x4b: {  	_ =	shalt  }
0x4c: {  	_ =	shalt  }
0x4d: {  	_ =	shalt  }
0x4e: {  	_ =	shalt  }
0x4f: {  	_ =	shalt  }
0x50: {  	_ =	shalt  }
0x51: {  	_ =	shalt  }
0x52: {  	_ =	shalt  }
0x53: {  	_ =	shalt  }
0x54: {  	_ =	shalt  }
0x55: {  	_ =	shalt  }
0x56: {  	_ =	shalt  }
0x57: {  	_ =	shalt  }
0x58: {  	_ =	shalt  }
0x59: {  	_ =	shalt  }
0x5a: {  	_ =	shalt  }
0x5b: {  	_ =	shalt  }
0x5c: {  	_ =	shalt  }
0x5d: {  	_ =	shalt  }
0x5e: {  	_ =	shalt  }
0x5f: {  	_ =	shalt  }
0x60: {  	_ =	shalt  }
0x61: {  	_ =	shalt  }
0x62: {  	_ =	shalt  }
0x63: {  	_ =	shalt  }
0x64: {  	_ =	shalt  }
0x65: {  	_ =	shalt  }
0x66: {  	_ =	shalt  }
0x67: {  	_ =	shalt  }
0x68: {  	_ =	shalt  }
0x69: {  	_ =	shalt  }
0x6a: {  	_ =	shalt  }
0x6b: {  	_ =	shalt  }
0x6c: {  	_ =	shalt  }
0x6d: {  	_ =	shalt  }
0x6e: {  	_ =	shalt  }
0x6f: {  	_ =	shalt  }
0x70: {  	_ =	shalt  }
0x71: {  	_ =	shalt  }
0x72: {  	_ =	shalt  }
0x73: {  	_ =	shalt  }
0x74: {  	_ =	shalt  }
0x75: {  	_ =	shalt  }
0x76: {  	_ =	shalt  }
0x77: {  	_ =	shalt  }
0x78: {  	_ =	shalt  }
0x79: {  	_ =	shalt  }
0x7a: {  	_ =	shalt  }
0x7b: {  	_ =	shalt  }
0x7c: {  	_ =	shalt  }
0x7d: {  	_ =	shalt  }
0x7e: {  	_ =	shalt  }
0x7f: {  	_ =	shalt  }
0x80: {  	_ =	shalt  }
0x81: {  	_ =	shalt  }
0x82: {  	_ =	shalt  }
0x83: {  	_ =	shalt  }
0x84: {  	_ =	shalt  }
0x85: {  	_ =	shalt  }
0x86: {  	_ =	shalt  }
0x87: {  	_ =	shalt  }
.Lfunc_end0:
.L_simem_size_0:
called_computation_lowered:
.L_overlay_start_0:
0x88: {  	s2 =	sld [smem:$0x3FD9]  }
0x89: {  	s3 =	sld [smem:$0x3FFE];
	_ =	sdelay $0x1  }
0x8a: {  	s1 =	srdreg.scid  }
0x8b: {  	s0 =	sand.u32 $0x1, s1  }
0x8c: {  	s16 =	sshll.u32 s0, $0xA;
	s2 =	sadd.s32 s3, s2  }
0x8d: {  	s2 =	sadd.s32 s2, s16  }
0x8e: {  	[smem:$0x3FBF] =	sst s2  }
0x8f: {  	_ = 	snop  }
0x90: {  	(tm) =	ssettm $0x1  }
0x91: {  	s17 =	sld [smem:$0x3FFB];
	_ =	sdelay $0x3  }
0x92: {  	_ =	strace s17  }
0x93: {  	s2 =	sld [smem:$0x3FFC];
	_ =	sdelay $0x3  }
0x94: {  	_ =	strace s2  }
0x95: {  	s2 =	sld [smem:$0x3FFD];
	_ =	sdelay $0x3  }
0x96: {  	_ =	strace s2  }
0x97: {  	_ =	strace $0x8FFFFFFF  }
0x98: {  	s18 =	sld [smem:$0x3FDB];
	_ =	sdelay $0x1  }
0x99: {  	s19 =	simm.s32 $_scs_section_size  }
0x9a: {  	s4 =	simm.s32 $_size__tile_overlayer_lowered;
	s5 =	simm.s32 $_tile_overlayer_lowered  }
0x9b: {  	s22 =	simm.s32 $0x1BFF;
	s21 =	sshll.u32 s5, $0x1;
	s2 =	sadd.s32 s19, s18  }
0x9c: {  	s6 =	simm.s32 $0x0;
	s20 =	sshll.u32 s4, $0x1;
	s4 =	sadd.s32 s21, s2  }
0x9d: {  	[timem:s6], [sflag:s22] =	dma.local [hbm:s4], s20  }
0x9e: {  	_ =	swait.ge [sflag:s22], s20  }
0x9f: {  	s3 =	ssub.s32 $0x0, s20;
	[sflag:s22] =	ssyncset.done $0x0  }
0xa0: {  	[sflag:s22] =	ssyncadd.s32 s3;
	_ =	sdelay $0x1  }
0xa1: {  	s23 =	simm.s32 $0x1B8B  }
0xa2: {  	_ =	swait.ge [sflag:s23], $0x1  }
0xa3: {  	[sflag:s23] =	ssyncset.done $0x0  }
0xa4: {  	s25 =	simm.s32 $0x1B8E;
	s24 =	sld [smem:$0x3FFE];
	[sflag:s23] =	ssyncadd.s32 $0xFFFFFFFF  }
0xa5: {  	s26 =	simm.s32 $execute0_lowered;
	[smem:$0x3FD2] =	sst s25  }
0xa6: {  	s4 =	sshll.u32 s26, $0x1;
	_ =	strace $0x80000046;
	[dreg:$0x1] =	wrdreg $0xFFFFFFFF  }
0xa7: {  	s28 =	simm.s32 $_size_execute0_lowered;
	s2 =	sadd.s32 s2, s4;
	[dreg:$0x0] =	wrdreg $0x0  }
0xa8: {  	s4 =	sshll.u32 s28, $0x1;
	[dreg:$0x2] =	wrdreg s2  }
0xa9: {  	[dreg:$0x3] =	wrdreg s4  }
0xaa: {  	[dreg:$0x4] =	wrdreg $0xC0  }
0xab: {  	_ =	task [dreg:s6], $0x5FFFF  }
0xac: {  	[dreg:$0x1] =	wrdreg $0xFFFFFFFF  }
0xad: {  	[dreg:$0x0] =	wrdreg $0x60  }
0xae: {  	[dreg:$0x2] =	wrdreg s24  }
0xaf: {  	[dreg:$0x3] =	wrdreg $0x9  }
0xb0: {  	_ =	task.clear_ibuf [dreg:s6], $0x4FFFF;
	_ =	strace $0x90000046  }
0xb1: {  	s29 =	simm.s32 $0x9;
	_ =	strace $0x80000048  }
0xb2: {  	_ =	swait.ge [sflag:s29], $0x1  }
0xb3: {  	[sflag:s29] =	ssyncadd.s32 $0xFFFFFFFF  }
0xb4: {  	_ =	strace $0x90000048  }
0xb5: {  	_ =	sfence  }
0xb6: {  	s30 =	sld [smem:$0x0];
	_ =	sdelay $0x2  }
0xb7: {  	s31 =	sshll.u32 s1, $0xD;
	s1 =	sshrl.u32 s1, $0x2  }
0xb8: {  	s3 =	sand.u32 $0x4000, s31;
	s1 =	sadd.s32 s1, s30  }
0xb9: {  	s0 =	sor.u32 s3, s0;
	s1 =	sshll.u32 s1, $0x11  }
0xba: {  	s0 =	sor.u32 s1, s0  }
0xbb: {  	s0 =	sadd.s32 $0x8F2B, s0  }
0xbc: {  	[sflag:s0] =	ssyncadd.remote.s32 $0x1  }
0xbd: {  	_ =	sfence.sel $0xFFFF  }
0xbe: {  	[dreg:$0x0] =	wrdreg $0xFFFFFFFF;
	(pc) =	sbr.abs _section_cstart, $3  }
0xbf: {  	[dreg:$0x1] =	wrdreg $0xFFFFFFFF  }
0xc0: {  	_ =	task.clear_ibuf [dreg:s6], $0x2FFFF;
	_ =	strace $0x9FFFFFFF  }
0xc1: {  	(tm) =	ssettm $0x7FFFFFFF  }
tec
execute0_lowered:
.L_overlay_start_1:
0x0: {  	(tag) =	ssettag $0x1  }
0x1: {  	s1 =	srdreg.scid  }
0x2: {  	s0 =	stileid.u32;
	s2 =	rddreg [dreg:$0x0]  }
0x3: {  	s5 =	simm.s32 $0x1;
	s8 =	simm.s32 $0x1;
	s1 =	sshll.u32 s1, $0x5  }
0x4: {  	s9 =	simm.s32 $0x3;
	s3 =	sshll.u32 s0, $0x6;
	s4 =	sand.u32 $0x20, s1  }
0x5: {  	s10 =	simm.s32 $0x0;
	s13 =	simm.s32 $0x0;
	s3 =	sor.u32 s3, s4  }
0x6: {  	s12 =	simm.s32 $0x0;
	s1 =	rddreg [dreg:$0x1];
	s7 =	ssub.s32 $0x800, s3  }
.Ltmp0:
0x7: {  	_ =	strace $0x80000047;
	s6 =	sand.u32 $0x3E0, s7;
	(pc) =	sbr.rel .LBB2_1-.Ltmp0, $4  }
0x8: {  	s4 =	sadd.s32 $0x4A00, s2;
	[sflag:s5] =	ssyncpa.u1 $0x0;
	p0 =	sne.s32 s6, $0x0  }
0x9: {  	s7 =	sshrl.u32 s7, $0xA;
	s6 =	simm.s32 $0x2;
	s8 =	simm.s32 @!p0 $0x0  }
0xa: {  	s11 =	smov.u32 s3;
	[sflag:s6] =	ssyncpa.u1 $0x0;
	s7 =	sadd.s32 s8, s7  }
0xb: {  	vm0 =	vmmov $0xffff;
	s8 =	sadd.s32 $0x4E00, s2;
	[sflag:s9] =	ssyncpa.u1 $0x0;
	s9 =	sadd.s32 $0x1, s7  }
.LBB2_5:
0xc: {  	s15 =	sadd.s32 $0x400, s11  }
0xd: {  	p1 =	sgt.s32 s15, $0x7FF  }
0xe: {  	s15 =	smov.u32 @p1 s3;
	p1 =	sne.s32 s12, s9  }
.Ltmp1:
0xf: {  	p0 =	slt.u32 s12, $0x2;
	(pc) =	sbr.rel @!p1 .LBB2_6-.Ltmp1, $4  }
0x10: {  	s14 =	simm.s32 @!p0 $0x3  }
0x11: {  	_ =	swait.ge @!p0 [sflag:s14], $0x20  }
0x12: {  	s16 =	sadd.s32 $0x1, s12;
	s13 =	smov.u32 s11;
	[sflag:s14] =	ssyncset.done @!p0 $0x0  }
0x13: {  	s12 =	smov.u32 s16;
	s11 =	smov.u32 s15;
	[sflag:s14] =	ssyncadd.s32 @!p0 $0xFFFFFFE0  }
.LBB2_1:
0x14: {  	p0 =	sge.u32 s12, s7  }
0x15: {  	s14 =	sxor.u32 @!p0 $0xFFFFFFFF, s12  }
0x16: {  	s31 =	sadd.s32 $0xFFFFFFFF, s12;
	s15 =	sshrl.u32 @!p0 s11, $0x3;
	s14 =	sshll.u32 @!p0 s14, $0x5  }
0x17: {  	s16 =	sand.u32 @!p0 $0x7, s11;
	s15 =	sadd.s32 @!p0 s4, s15;
	s14 =	sand.u32 @!p0 $0x20, s14  }
0x18: {  	[tilespmem:s14], [sflag:$0x2] =	stream.linear.gather @!p0 [hbm4b:s15+s16], $0x20, $0x38;
	[tilespmem:$0x80] =	vst v63  }
0x19: {  	p0 =	sge.u32 s31, s7  }
.Ltmp2:
0x1a: {  	_ = 	snop;
	(pc) =	sbr.rel @p0 .LBB2_5-.Ltmp2, $1  }
0x1b: {  	_ =	sdelay $0x3  }
0x1c: {  	_ =	swait.ge [sflag:s6], $0x20;
	s14 =	sshll.u32 s12, $0x5;
	s16 =	simm.s32 $0x0  }
0x1d: {  	p0 =	por $0x1, $0x1;
	[sflag:s6] =	ssyncset.done $0x0;
	s15 =	sand.u32 $0x20, s14  }
0x1e: {  	[sflag:s6] =	ssyncadd.s32 $0xFFFFFFE0;
	(ifvalue) =	ssetifvalue $0x7FFFFFFF;
	s14 =	sor.u32 $0x40, s15  }
.LBB2_3:
0x1f: {  	s17 =	sadd.s32 s16, s15  }
0x20: {  	v0 =	vld.msk [tilespmem:s17+$0x0 ss:$0x1], $0xffff;
	_ =	sdelay $0x4  }
0x21: {  	v1 =	vshrl.u32 v0, $0xA;
	v2 =	vshll.u32 v0, $0x7  }
0x22: {  	vm1 =	veq.s32 v0, $0x80000000;
	v61 =	vand.u32 $0x7, v1;
	v62 =	vand.u32 $0x1FF80, v2  }
0x23: {  	v0 =	vsel vm1, $0xFFFFFFFF, v61;
	v1 =	vsel vm1, $0xFFFFFF80, v62  }
0x24: {  	v63 =	vand.u32 $0xFFFFFC00, v1;
	v3 =	vand.u32 $0xFFFFFC00, v0  }
0x25: {  	v1 =	vand.u32 $0x380, v1;
	v2 =	vadd.s32 v3, v63  }
0x26: {  	v0 =	vand.u32 $0x7F, v0;
	v1 =	vor.u32 v1, v2  }
0x27: {  	p1 =	por p0, p0;
	v0 =	vor.u32 v0, v1  }
.Ltmp3:
0x28: {  	_ = 	snop;
	(pc) =	sbr.rel @p1 .LBB2_3-.Ltmp3, $4  }
0x29: {  	_ = 	snop  }
0x2a: {  	s31 =	sadd.s32 s16, s14  }
0x2b: {  	s16 =	simm.s32 $0x10;
	p0 =	por $0x0, $0x0;
	(ifvalue) =	ssetifvalue $0x7FFFFFFF  }
0x2c: {  	[tilespmem:s31], [sflag:$0x1] =	stream.indirect_vreg.gather [hbm4b:s2+s10], $0x1, v0, vm0, $0x4038;
	[tilespmem:$0x80] =	vst v63  }
.Ltmp4:
0x2d: {  	(pc) =	sbr.rel .LBB2_5-.Ltmp4, $4  }
0x2e: {  	_ =	swait.ge [sflag:s5], $0x20  }
0x2f: {  	s15 =	sshrl.u32 s13, $0x3;
	[sflag:s5] =	ssyncset.done $0x0  }
0x30: {  	s31 =	sand.u32 $0x7, s13;
	s15 =	sadd.s32 s8, s15;
	[sflag:s5] =	ssyncadd.s32 $0xFFFFFFE0  }
0x31: {  	[hbm4b:s15+s31] =	stream.linear.scatter [tilespmem:s14], [sflag:$0x3], $0x20, $0x38;
	[tilespmem:$0x80] =	vst v63  }
.LBB2_6:
0x32: {  	_ =	sfence.sel $0x180000  }
0x33: {  	s2 =	simm.s32 $0x2;
	[bflag:$0x0] =	sbarrier.arrive $0xFFFF  }
0x34: {  	s30 =	simm.s32 $0x3;
	[sflag:s2] =	ssyncpa.u1 $0x1  }
0x35: {  	s31 =	simm.s32 $0x1;
	[sflag:s30] =	ssyncpa.u1 $0x1  }
0x36: {  	[sflag:s31] =	ssyncpa.u1 $0x1  }
0x37: {  	p0 =	sne.s32 s0, $0x0;
	_ =	strace $0x90000047  }
0x38: {  	s0 =	sadd.s32 @!p0 $0x100000, s1;
	[bflag:$0x2] =	sbarrier.arrive $0xFFFF  }
0x39: {  	[sflag:s0] =	ssyncadd.tile.s32 @!p0 $0x1;
	_ =	shalt  }
.Lfunc_end2:
_tile_overlayer_lowered:
.L_overlay_start_2:
0x3a: {  	(tag) =	ssettag $0x2  }
0x3b: {  	s0 =	rddreg [dreg:$0x0];
	s2 =	stileid.u32  }
0x3c: {  	s1 =	rddreg [dreg:$0x1];
	p0 =	sne.s32 s2, $0x0  }
0x3d: {  	s3 =	rddreg [dreg:$0x2];
	[bflag:$0x3] =	sbarrier.arrive $0xFFFF;
	s2 =	simm.s32 @!p0 $0x1C01  }
0x3e: {  	[timem:s3], [sflag:s2] =	dma.local @!p0 [hbm:s0], s1  }
0x3f: {  	s0 =	simm.s32 @!p0 $0x1  }
0x40: {  	_ =	swait.ge @!p0 [sflag:s0], s1  }
0x41: {  	s1 =	ssub.s32 @!p0 $0x0, s1;
	[sflag:s0] =	ssyncset.done @!p0 $0x0  }
0x42: {  	[sflag:s0] =	ssyncadd.s32 @!p0 s1  }
0x43: {  	[bflag:$0x3] =	sbarrier.arrive $0xFFFF  }
0x44: {  	_ =	shalt  }

</sc_bundles>
